<compile_context>
chip_gen: v7x
topology: tpu7x:2x2x1
jax: 0.10.2.dev20260603
libtpu: 0.0.44.dev20260713+nightly
codegen_flags: <defaults>
</compile_context>

<pallas_src>
import functools

import jax
import jax.numpy as jnp
from jax.experimental import pallas as pl

_PRE_NMS_THRESH = 0.05
_PRE_NMS_TOP_N = 1000
_NMS_THRESH = 0.6
_POST_TOP_N = 100
_STRIDES = (8.0, 16.0, 32.0, 64.0, 128.0)
_PADK = 1024


def _score_body(bc_ref, cn_ref, bi_ref, o_ref, *, C):
    i = pl.program_id(0)
    bc = bc_ref[...]
    cn = cn_ref[...]
    bi = bi_ref[...]
    cls = (1.0 / (1.0 + jnp.exp(-bc))) * (1.0 / (1.0 + jnp.exp(-cn)))
    col = jax.lax.broadcasted_iota(jnp.int32, bc.shape, 1)
    valid = (cls > _PRE_NMS_THRESH) & (col < (C - 1)) & (bi == i)
    o_ref[...] = jnp.where(valid, jnp.sqrt(cls), -1.0)[None]


def _nms_body(lx_ref, ly_ref, r0_ref, r1_ref, r2_ref, r3_ref, v_ref, cl_ref,
              hw_ref, o_ref):
    lx = lx_ref[0]
    ly = ly_ref[0]
    r0 = r0_ref[0]
    r1 = r1_ref[0]
    r2 = r2_ref[0]
    r3 = r3_ref[0]
    v = v_ref[0]
    cl = cl_ref[0]
    h = hw_ref[0, 0, 0]
    w = hw_ref[0, 0, 1]

    x1 = jnp.clip(lx - r0, 0.0, w - 1.0)
    y1 = jnp.clip(ly - r1, 0.0, h - 1.0)
    x2 = jnp.clip(lx + r2, 0.0, w - 1.0)
    y2 = jnp.clip(ly + r3, 0.0, h - 1.0)
    ws = x2 - x1 + 1.0
    hs = y2 - y1 + 1.0
    valid = (v > 0.0) & (ws >= 0.0) & (hs >= 0.0)

    neg = jnp.float32(-jnp.inf)

    def mmax(a):
        return jnp.max(jnp.where(valid, a, neg))

    mx = jnp.maximum(jnp.maximum(mmax(x1), mmax(y1)),
                     jnp.maximum(mmax(x2), mmax(y2)))
    mx = jnp.where(mx == neg, 0.0, mx)
    off = cl * (mx + 1.0)
    bx1 = x1 + off
    by1 = y1 + off
    bx2 = x2 + off
    by2 = y2 + off
    areas = (bx2 - bx1 + 1.0) * (by2 - by1 + 1.0)

    ar = jax.lax.broadcasted_iota(jnp.int32, (1, _PADK), 1)

    validf = jnp.where(valid, 1.0, 0.0)

    def body(j, suppf):
        sel = ar == j
        self_f = jnp.where(sel, 1.0, 0.0)
        bx1j = jnp.sum(self_f * bx1)
        by1j = jnp.sum(self_f * by1)
        bx2j = jnp.sum(self_f * bx2)
        by2j = jnp.sum(self_f * by2)
        aj = jnp.sum(self_f * areas)
        keepf = jnp.sum(self_f * validf * (1.0 - suppf))
        xx1 = jnp.maximum(bx1j, bx1)
        yy1 = jnp.maximum(by1j, by1)
        xx2 = jnp.minimum(bx2j, bx2)
        yy2 = jnp.minimum(by2j, by2)
        iw = jnp.maximum(0.0, xx2 - xx1 + 1.0)
        ih = jnp.maximum(0.0, yy2 - yy1 + 1.0)
        inter = iw * ih
        iou = inter / (aj + areas - inter)
        newsf = jnp.where((iou > _NMS_THRESH) & (ar > j), 1.0, 0.0)
        return jnp.where(keepf > 0.5, jnp.maximum(suppf, newsf), suppf)

    suppf = jax.lax.fori_loop(0, _PRE_NMS_TOP_N, body,
                              jnp.zeros((1, _PADK), jnp.float32))

    kept = valid & (suppf < 0.5)
    c = jnp.where(kept, 1.0, 0.0)
    d = 1
    while d < _PADK:
        c = c + jnp.concatenate(
            [jnp.zeros((1, d), jnp.float32), c[:, :_PADK - d]], axis=1)
        d *= 2
    rank = (c - 1.0).astype(jnp.int32)
    final = kept & (rank < _POST_TOP_N)
    rows = jax.lax.broadcasted_iota(jnp.int32, (128, _PADK), 0)
    ohf = jnp.where((rows == rank) & final, 1.0, 0.0)
    vmat = jnp.concatenate(
        [x1, y1, x2, y2, v, cl, jnp.zeros((2, _PADK), jnp.float32)], axis=0)
    out = jax.lax.dot_general(ohf, vmat, (((1,), (1,)), ((), ())),
                              preferred_element_type=jnp.float32)
    o_ref[...] = out[None]


def kernel(locations, levels, batch_indices, box_cls, box_regression,
           centerness, image_sizes):
    m, C = box_cls.shape
    N = image_sizes.shape[0]
    P = 128
    R = 2000

    bc = jnp.pad(box_cls.astype(jnp.float32), ((0, 0), (0, P - C)),
                 constant_values=-1e9)
    cn = centerness.astype(jnp.float32).reshape(m, 1)
    bi = batch_indices.astype(jnp.int32).reshape(m, 1)

    scored = pl.pallas_call(
        functools.partial(_score_body, C=C),
        grid=(N, m // R),
        in_specs=[
            pl.BlockSpec((R, P), lambda i, rb: (rb, 0)),
            pl.BlockSpec((R, 1), lambda i, rb: (rb, 0)),
            pl.BlockSpec((R, 1), lambda i, rb: (rb, 0)),
        ],
        out_specs=pl.BlockSpec((1, R, P), lambda i, rb: (i, rb, 0)),
        out_shape=jax.ShapeDtypeStruct((N, m, P), jnp.float32),
    )(bc, cn, bi)

    vals_k, idx_k = jax.lax.top_k(scored[:, :, :C].reshape(N, m * C),
                                  _PRE_NMS_TOP_N)
    rsel = idx_k // C
    csel = idx_k % C

    strides = jnp.asarray(_STRIDES, jnp.float32)
    reg = box_regression.astype(jnp.float32) * strides[levels][:, None]
    locs = locations.astype(jnp.float32)

    pad = _PADK - _PRE_NMS_TOP_N
    def padz(a, cv=0.0):
        return jnp.pad(a, ((0, 0), (0, pad)),
                       constant_values=cv).reshape(N, 1, _PADK)

    lx = padz(locs[rsel, 0])
    ly = padz(locs[rsel, 1])
    r0 = padz(reg[rsel, 0])
    r1 = padz(reg[rsel, 1])
    r2 = padz(reg[rsel, 2])
    r3 = padz(reg[rsel, 3])
    vp = padz(vals_k, cv=-1.0)
    clab = padz((csel + 1).astype(jnp.float32))
    hw = jnp.zeros((N, 1, 128), jnp.float32)
    hw = hw.at[:, 0, 0].set(image_sizes[:, 0].astype(jnp.float32))
    hw = hw.at[:, 0, 1].set(image_sizes[:, 1].astype(jnp.float32))

    vec = pl.BlockSpec((1, 1, _PADK), lambda i: (i, 0, 0))
    out = pl.pallas_call(
        _nms_body,
        grid=(N,),
        in_specs=[vec, vec, vec, vec, vec, vec, vec, vec,
                  pl.BlockSpec((1, 1, 128), lambda i: (i, 0, 0))],
        out_specs=pl.BlockSpec((1, 128, 8), lambda i: (i, 0, 0)),
        out_shape=jax.ShapeDtypeStruct((N, 128, 8), jnp.float32),
    )(lx, ly, r0, r1, r2, r3, vp, clab, hw)

    vals5 = out[:, :_POST_TOP_N, :5].reshape(N * _POST_TOP_N, 5)
    labels = jnp.rint(out[:, :_POST_TOP_N, 5]).astype(jnp.int32).reshape(-1)
    return vals5, labels

# --- scband reference (transcript-rebuilt; emitter-appended) ---
"""Pipeline reference for scband-fcossparse-post-processor-30408368456271 (READ-ONLY COPY).

The authoritative reference and input builder live on the scoring server;
editing this copy changes nothing except your own understanding.
"""

import jax, jax.numpy as jnp
import numpy as np

PRE_NMS_THRESH = 0.05
PRE_NMS_TOP_N = 1000
NMS_THRESH = 0.6
FPN_POST_NMS_TOP_N = 100
MIN_SIZE = 0
STRIDES = np.array([8.0, 16.0, 32.0, 64.0, 128.0], dtype=np.float32)
NUM_IMAGES = 8


def _sigmoid_np(x):
    return 1.0 / (1.0 + np.exp(-x))


def _nms_np(boxes, scores, thresh):
    x1, y1, x2, y2 = boxes[:, 0], boxes[:, 1], boxes[:, 2], boxes[:, 3]
    areas = (x2 - x1 + 1.0) * (y2 - y1 + 1.0)
    order = np.argsort(-scores, kind='stable')
    keep = []
    while order.size > 0:
        i = order[0]
        keep.append(i)
        xx1 = np.maximum(x1[i], x1[order[1:]])
        yy1 = np.maximum(y1[i], y1[order[1:]])
        xx2 = np.minimum(x2[i], x2[order[1:]])
        yy2 = np.minimum(y2[i], y2[order[1:]])
        w = np.maximum(0.0, xx2 - xx1 + 1.0)
        h = np.maximum(0.0, yy2 - yy1 + 1.0)
        inter = w * h
        iou = inter / (areas[i] + areas[order[1:]] - inter)
        order = order[1:][iou <= thresh]
    return np.asarray(keep, dtype=np.int64)


def _pipeline(locations, levels, batch_indices, box_cls, box_regression, centerness, image_sizes):
    locations = jnp.asarray(locations, jnp.float32)
    levels = jnp.asarray(levels, jnp.int32)
    batch_indices = jnp.asarray(batch_indices, jnp.int32)
    box_cls = jnp.asarray(box_cls, jnp.float32)
    box_regression = jnp.asarray(box_regression, jnp.float32)
    centerness = jnp.asarray(centerness, jnp.float32)
    image_sizes = jnp.asarray(image_sizes, jnp.float32)
    strides = jnp.asarray(STRIDES)
    m, C = box_cls.shape
    reg = box_regression * strides[levels][:, None]
    cls = (1.0 / (1.0 + jnp.exp(-box_cls))) * (1.0 / (1.0 + jnp.exp(-centerness)))
    cls = cls.at[:, -1].set(0.0)
    flat_score = jnp.sqrt(cls).reshape(-1)
    flat_valid = (cls > PRE_NMS_THRESH).reshape(-1)
    flat_batch = jnp.broadcast_to(batch_indices[:, None], (m, C)).reshape(-1)
    N = image_sizes.shape[0]
    K = PRE_NMS_TOP_N
    ar = jnp.arange(K)
    RR, CC, LL, PP, BB = [], [], [], [], []
    for i in range(N):
        sc_i = jnp.where(flat_valid & (flat_batch == i), flat_score, -1.0)
        vals_k, idx_k = jax.lax.top_k(sc_i, K)
        valid = vals_k > 0.0
        rsel = idx_k // C
        csel = idx_k % C
        locs = locations[rsel]
        rg = reg[rsel]
        x1 = locs[:, 0] - rg[:, 0]
        y1 = locs[:, 1] - rg[:, 1]
        x2 = locs[:, 0] + rg[:, 2]
        y2 = locs[:, 1] + rg[:, 3]
        h = image_sizes[i, 0]
        w = image_sizes[i, 1]
        x1 = jnp.clip(x1, 0.0, w - 1.0)
        x2 = jnp.clip(x2, 0.0, w - 1.0)
        y1 = jnp.clip(y1, 0.0, h - 1.0)
        y2 = jnp.clip(y2, 0.0, h - 1.0)
        ws = x2 - x1 + 1.0
        hs = y2 - y1 + 1.0
        valid = valid & (ws >= MIN_SIZE) & (hs >= MIN_SIZE)
        b = jnp.stack([x1, y1, x2, y2], axis=1)
        mx = jnp.max(jnp.where(valid[:, None], b, -jnp.inf))
        mx = jnp.where(jnp.isfinite(mx), mx, 0.0)
        labf = (csel + 1).astype(jnp.float32)
        boff = b + (labf * (mx + 1.0))[:, None]
        bx1, by1, bx2, by2 = boff[:, 0], boff[:, 1], boff[:, 2], boff[:, 3]
        areas = (bx2 - bx1 + 1.0) * (by2 - by1 + 1.0)

        def body(j, supp):
            keep_j = valid[j] & jnp.logical_not(supp[j])
            xx1 = jnp.maximum(bx1[j], bx1)
            yy1 = jnp.maximum(by1[j], by1)
            xx2 = jnp.minimum(bx2[j], bx2)
            yy2 = jnp.minimum(by2[j], by2)
            iw = jnp.maximum(0.0, xx2 - xx1 + 1.0)
            ih = jnp.maximum(0.0, yy2 - yy1 + 1.0)
            inter = iw * ih
            iou = inter / (areas[j] + areas - inter)
            news = (iou > NMS_THRESH) & (ar > j)
            return jnp.where(keep_j, supp | news, supp)

        supp = jax.lax.fori_loop(0, K, body, jnp.zeros((K,), bool))
        kept = valid & jnp.logical_not(supp)
        rank = jnp.cumsum(kept) - 1
        final = kept & (rank < FPN_POST_NMS_TOP_N)
        slot = jnp.where(final, rank, FPN_POST_NMS_TOP_N)
        rsl = jnp.zeros((FPN_POST_NMS_TOP_N + 1,), jnp.int32).at[slot].set(rsel)[:FPN_POST_NMS_TOP_N]
        csl = jnp.zeros((FPN_POST_NMS_TOP_N + 1,), jnp.int32).at[slot].set(csel)[:FPN_POST_NMS_TOP_N]
        n_i = jnp.minimum(jnp.sum(kept), FPN_POST_NMS_TOP_N)
        base = jnp.arange(FPN_POST_NMS_TOP_N)
        pos = jnp.where(base < n_i, i * FPN_POST_NMS_TOP_N + base, N * FPN_POST_NMS_TOP_N)
        RR.append(rsl)
        CC.append(csl)
        LL.append(csl + 1)
        PP.append(pos)
        BB.append(jnp.full((FPN_POST_NMS_TOP_N,), i, jnp.int32))
    return (jnp.concatenate(RR), jnp.concatenate(CC), jnp.concatenate(LL), jnp.concatenate(PP), jnp.concatenate(BB))


def setup_inputs(seed: int = 0):
    key = jax.random.key(seed)
    k1, k2, k3, k4, k5, k6 = jax.random.split(key, 6)
    m = 20000
    C = 80
    locations = jax.random.uniform(k1, (m, 2), dtype=jnp.float32) * 900.0
    levels = jax.random.randint(k2, (m,), 0, 5, dtype=jnp.int32)
    batch_indices = jnp.sort(jax.random.randint(k3, (m,), 0, NUM_IMAGES, dtype=jnp.int32))
    box_cls = jax.random.normal(k4, (m, C), dtype=jnp.float32)
    box_regression = jax.random.uniform(k5, (m, 4), dtype=jnp.float32) * 8.0
    centerness = jax.random.normal(k6, (m, 1), dtype=jnp.float32)
    image_sizes = jnp.array([[800, 1216], [768, 1024], [800, 1216], [640, 853], [800, 1216], [720, 1280], [800, 1067], [768, 1152]], dtype=jnp.int32)
    return {'locations': locations, 'levels': levels, 'batch_indices': batch_indices, 'box_cls': box_cls, 'box_regression': box_regression, 'centerness': centerness, 'image_sizes': image_sizes}


def reference(locations, levels, batch_indices, box_cls, box_regression, centerness, image_sizes):
    r, c, lab, pos, bimg = _pipeline(locations, levels, batch_indices, box_cls, box_regression, centerness, image_sizes)
    N = int(image_sizes.shape[0])
    strides = jnp.asarray(STRIDES)
    r_j = jnp.asarray(r)
    c_j = jnp.asarray(c)
    pos_j = jnp.asarray(pos)
    b_j = jnp.asarray(bimg)
    reg = box_regression[r_j] * strides[levels[r_j]][:, None]
    locs = locations[r_j]
    x1 = locs[:, 0] - reg[:, 0]
    y1 = locs[:, 1] - reg[:, 1]
    x2 = locs[:, 0] + reg[:, 2]
    y2 = locs[:, 1] + reg[:, 3]
    hh = image_sizes[b_j, 0].astype(jnp.float32)
    ww = image_sizes[b_j, 1].astype(jnp.float32)
    x1 = jnp.clip(x1, 0.0, ww - 1.0)
    x2 = jnp.clip(x2, 0.0, ww - 1.0)
    y1 = jnp.clip(y1, 0.0, hh - 1.0)
    y2 = jnp.clip(y2, 0.0, hh - 1.0)
    sc = jnp.sqrt(jax.nn.sigmoid(box_cls[r_j, c_j]) * jax.nn.sigmoid(centerness[r_j, 0]))
    vals = jnp.stack([x1, y1, x2, y2, sc], axis=1)
    out = jnp.zeros((N * FPN_POST_NMS_TOP_N, 5), jnp.float32).at[pos_j].set(vals)
    labels_out = jnp.zeros((N * FPN_POST_NMS_TOP_N,), jnp.int32).at[pos_j].set(jnp.asarray(lab).astype(jnp.int32))
    return out, labels_out

if __name__ == "__main__":
    import jax
    _d = setup_inputs()
    print(jax.jit(kernel)(*tuple(_d.values())))

</pallas_src>

<mosaic_0001>
module attributes {stable_mosaic.version = 14 : i64} {
  func.func @_score_body(%arg0: i32, %arg1: i32, %arg2: memref<2000x128xf32, #tpu.memory_space<vmem>>, %arg3: memref<2000x1xf32, #tpu.memory_space<vmem>>, %arg4: memref<2000x1xi32, #tpu.memory_space<vmem>>, %arg5: memref<1x2000x128xf32, #tpu.memory_space<vmem>>) attributes {dimension_semantics = [#tpu.dimension_semantics<arbitrary>, #tpu.dimension_semantics<arbitrary>], iteration_bounds = array<i64: 8, 10>, scalar_prefetch = 0 : i64, scratch_operands = 0 : i64, tpu.core_type = #tpu.core_type<tc>, window_params = [{transform_indices = @transform_0, window_bounds = array<i64: 2000, 128>}, {transform_indices = @transform_1, window_bounds = array<i64: 2000, 1>}, {transform_indices = @transform_2, window_bounds = array<i64: 2000, 1>}, {transform_indices = @transform_3, window_bounds = array<i64: 1, 2000, 128>}]} {
    %get3A = arith.constant 0 : index
    %get3A_0 = arith.constant 0 : index
    %get3A_1 = vector.load %arg2[%get3A, %get3A_0] : memref<2000x128xf32, #tpu.memory_space<vmem>>, vector<2000x128xf32>
    %get3A_2 = arith.constant 0 : index
    %get3A_3 = arith.constant 0 : index
    %get3A_4 = vector.load %arg3[%get3A_2, %get3A_3] : memref<2000x1xf32, #tpu.memory_space<vmem>>, vector<2000x1xf32>
    %get3A_5 = arith.constant 0 : index
    %get3A_6 = arith.constant 0 : index
    %get3A_7 = vector.load %arg4[%get3A_5, %get3A_6] : memref<2000x1xi32, #tpu.memory_space<vmem>>, vector<2000x1xi32>
    %neg3A = arith.constant 0.000000e+00 : f32
    %neg3A_8 = vector.broadcast %neg3A : f32 to vector<2000x128xf32>
    %neg3A_9 = arith.subf %neg3A_8, %get3A_1 : vector<2000x128xf32>
    %exp3A = math.exp %neg3A_9 : vector<2000x128xf32>
    %add3A = arith.constant 1.000000e+00 : f32
    %add3A_10 = vector.broadcast %add3A : f32 to vector<2000x128xf32>
    %add3A_11 = arith.addf %add3A_10, %exp3A : vector<2000x128xf32>
    %div3A = arith.constant 1.000000e+00 : f32
    %div3A_12 = vector.broadcast %div3A : f32 to vector<2000x128xf32>
    %div3A_13 = arith.divf %div3A_12, %add3A_11 : vector<2000x128xf32>
    %neg3A_14 = arith.constant 0.000000e+00 : f32
    %neg3A_15 = vector.broadcast %neg3A_14 : f32 to vector<2000x1xf32>
    %neg3A_16 = arith.subf %neg3A_15, %get3A_4 : vector<2000x1xf32>
    %exp3A_17 = math.exp %neg3A_16 : vector<2000x1xf32>
    %add3A_18 = arith.constant 1.000000e+00 : f32
    %add3A_19 = vector.broadcast %add3A_18 : f32 to vector<2000x1xf32>
    %add3A_20 = arith.addf %add3A_19, %exp3A_17 : vector<2000x1xf32>
    %div3A_21 = arith.constant 1.000000e+00 : f32
    %div3A_22 = vector.broadcast %div3A_21 : f32 to vector<2000x1xf32>
    %div3A_23 = arith.divf %div3A_22, %add3A_20 : vector<2000x1xf32>
    %mul3A = vector.broadcast %div3A_23 : vector<2000x1xf32> to vector<2000x128xf32>
    %mul3A_24 = arith.mulf %div3A_13, %mul3A : vector<2000x128xf32>
    %iota3A = tpu.iota {dimensions = array<i32: 1>} : vector<2000x128xi32>
    %gt3A = arith.constant 5.000000e-02 : f32
    %gt3A_25 = vector.broadcast %gt3A : f32 to vector<2000x128xf32>
    %gt3A_26 = arith.cmpf ogt, %mul3A_24, %gt3A_25 : vector<2000x128xf32>
    %lt3A = arith.constant 79 : i32
    %lt3A_27 = vector.broadcast %lt3A : i32 to vector<2000x128xi32>
    %lt3A_28 = arith.cmpi slt, %iota3A, %lt3A_27 : vector<2000x128xi32>
    %and3A = arith.andi %gt3A_26, %lt3A_28 : vector<2000x128xi1>
    %eq3A = vector.broadcast %arg0 : i32 to vector<2000x1xi32>
    %eq3A_29 = arith.cmpi eq, %get3A_7, %eq3A : vector<2000x1xi32>
    %and3A_30 = vector.broadcast %eq3A_29 : vector<2000x1xi1> to vector<2000x128xi1>
    %and3A_31 = arith.andi %and3A, %and3A_30 : vector<2000x128xi1>
    %sqrt3A = math.sqrt %mul3A_24 : vector<2000x128xf32>
    %jit3A = arith.constant -1.000000e+00 : f32
    %broadcast_in_dim3A = vector.broadcast %jit3A : f32 to vector<2000x128xf32>
    %select_n3A = arith.select %and3A_31, %sqrt3A, %broadcast_in_dim3A : vector<2000x128xi1>, vector<2000x128xf32>
    %broadcast_in_dim3A_32 = vector.shape_cast %select_n3A : vector<2000x128xf32> to vector<1x2000x128xf32>
    %swap3A = arith.constant 0 : index
    %swap3A_33 = arith.constant 0 : index
    %swap3A_34 = arith.constant 0 : index
    %swap3A_35 = vector.load %arg5[%swap3A, %swap3A_33, %swap3A_34] : memref<1x2000x128xf32, #tpu.memory_space<vmem>>, vector<1x2000x128xf32>
    tpu.vector_store %arg5[%swap3A, %swap3A_33, %swap3A_34], %broadcast_in_dim3A_32 {strides = array<i32>} : memref<1x2000x128xf32, #tpu.memory_space<vmem>>, vector<1x2000x128xf32>,
    return
  }
  func.func @transform_0(%arg0: i32, %arg1: i32) -> (i32, i32) {
    %c0_i32 = arith.constant 0 : i32
    %c0_i32_0 = arith.constant 0 : i32
    return %arg1, %c0_i32 : i32, i32
  }
  func.func @transform_1(%arg0: i32, %arg1: i32) -> (i32, i32) {
    %c0_i32 = arith.constant 0 : i32
    %c0_i32_0 = arith.constant 0 : i32
    return %arg1, %c0_i32 : i32, i32
  }
  func.func @transform_2(%arg0: i32, %arg1: i32) -> (i32, i32) {
    %c0_i32 = arith.constant 0 : i32
    %c0_i32_0 = arith.constant 0 : i32
    return %arg1, %c0_i32 : i32, i32
  }
  func.func @transform_3(%arg0: i32, %arg1: i32) -> (i32, i32, i32) {
    %c0_i32 = arith.constant 0 : i32
    %c0_i32_0 = arith.constant 0 : i32
    return %arg0, %arg1, %c0_i32 : i32, i32, i32
  }
}

module attributes {stable_mosaic.version = 14 : i64} {
  func.func @_nms_body(%arg0: i32, %arg1: memref<1x1x1024xf32, #tpu.memory_space<vmem>>, %arg2: memref<1x1x1024xf32, #tpu.memory_space<vmem>>, %arg3: memref<1x1x1024xf32, #tpu.memory_space<vmem>>, %arg4: memref<1x1x1024xf32, #tpu.memory_space<vmem>>, %arg5: memref<1x1x1024xf32, #tpu.memory_space<vmem>>, %arg6: memref<1x1x1024xf32, #tpu.memory_space<vmem>>, %arg7: memref<1x1x1024xf32, #tpu.memory_space<vmem>>, %arg8: memref<1x1x1024xf32, #tpu.memory_space<vmem>>, %arg9: memref<1x1x128xf32, #tpu.memory_space<vmem>>, %arg10: memref<1x128x8xf32, #tpu.memory_space<vmem>>) attributes {dimension_semantics = [#tpu.dimension_semantics<arbitrary>], iteration_bounds = array<i64: 8>, scalar_prefetch = 0 : i64, scratch_operands = 0 : i64, tpu.core_type = #tpu.core_type<tc>, window_params = [{transform_indices = @transform_0, window_bounds = array<i64: 1, 1, 1024>}, {transform_indices = @transform_1, window_bounds = array<i64: 1, 1, 1024>}, {transform_indices = @transform_2, window_bounds = array<i64: 1, 1, 1024>}, {transform_indices = @transform_3, window_bounds = array<i64: 1, 1, 1024>}, {transform_indices = @transform_4, window_bounds = array<i64: 1, 1, 1024>}, {transform_indices = @transform_5, window_bounds = array<i64: 1, 1, 1024>}, {transform_indices = @transform_6, window_bounds = array<i64: 1, 1, 1024>}, {transform_indices = @transform_7, window_bounds = array<i64: 1, 1, 1024>}, {transform_indices = @transform_8, window_bounds = array<i64: 1, 1, 128>}, {transform_indices = @transform_9, window_bounds = array<i64: 1, 128, 8>}]} {
    %get3A = arith.constant 0 : index
    %get3A_0 = arith.constant 0 : index
    %get3A_1 = arith.constant 0 : index
    %get3A_2 = vector.load %arg1[%get3A, %get3A_0, %get3A_1] : memref<1x1x1024xf32, #tpu.memory_space<vmem>>, vector<1x1x1024xf32>
    %get3A_3 = vector.shape_cast %get3A_2 : vector<1x1x1024xf32> to vector<1x1024xf32>
    %get3A_4 = arith.constant 0 : index
    %get3A_5 = arith.constant 0 : index
    %get3A_6 = arith.constant 0 : index
    %get3A_7 = vector.load %arg2[%get3A_4, %get3A_5, %get3A_6] : memref<1x1x1024xf32, #tpu.memory_space<vmem>>, vector<1x1x1024xf32>
    %get3A_8 = vector.shape_cast %get3A_7 : vector<1x1x1024xf32> to vector<1x1024xf32>
    %get3A_9 = arith.constant 0 : index
    %get3A_10 = arith.constant 0 : index
    %get3A_11 = arith.constant 0 : index
    %get3A_12 = vector.load %arg3[%get3A_9, %get3A_10, %get3A_11] : memref<1x1x1024xf32, #tpu.memory_space<vmem>>, vector<1x1x1024xf32>
    %get3A_13 = vector.shape_cast %get3A_12 : vector<1x1x1024xf32> to vector<1x1024xf32>
    %get3A_14 = arith.constant 0 : index
    %get3A_15 = arith.constant 0 : index
    %get3A_16 = arith.constant 0 : index
    %get3A_17 = vector.load %arg4[%get3A_14, %get3A_15, %get3A_16] : memref<1x1x1024xf32, #tpu.memory_space<vmem>>, vector<1x1x1024xf32>
    %get3A_18 = vector.shape_cast %get3A_17 : vector<1x1x1024xf32> to vector<1x1024xf32>
    %get3A_19 = arith.constant 0 : index
    %get3A_20 = arith.constant 0 : index
    %get3A_21 = arith.constant 0 : index
    %get3A_22 = vector.load %arg5[%get3A_19, %get3A_20, %get3A_21] : memref<1x1x1024xf32, #tpu.memory_space<vmem>>, vector<1x1x1024xf32>
    %get3A_23 = vector.shape_cast %get3A_22 : vector<1x1x1024xf32> to vector<1x1024xf32>
    %get3A_24 = arith.constant 0 : index
    %get3A_25 = arith.constant 0 : index
    %get3A_26 = arith.constant 0 : index
    %get3A_27 = vector.load %arg6[%get3A_24, %get3A_25, %get3A_26] : memref<1x1x1024xf32, #tpu.memory_space<vmem>>, vector<1x1x1024xf32>
    %get3A_28 = vector.shape_cast %get3A_27 : vector<1x1x1024xf32> to vector<1x1024xf32>
    %get3A_29 = arith.constant 0 : index
    %get3A_30 = arith.constant 0 : index
    %get3A_31 = arith.constant 0 : index
    %get3A_32 = vector.load %arg7[%get3A_29, %get3A_30, %get3A_31] : memref<1x1x1024xf32, #tpu.memory_space<vmem>>, vector<1x1x1024xf32>
    %get3A_33 = vector.shape_cast %get3A_32 : vector<1x1x1024xf32> to vector<1x1024xf32>
    %get3A_34 = arith.constant 0 : index
    %get3A_35 = arith.constant 0 : index
    %get3A_36 = arith.constant 0 : index
    %get3A_37 = vector.load %arg8[%get3A_34, %get3A_35, %get3A_36] : memref<1x1x1024xf32, #tpu.memory_space<vmem>>, vector<1x1x1024xf32>
    %get3A_38 = vector.shape_cast %get3A_37 : vector<1x1x1024xf32> to vector<1x1024xf32>
    %get3A_39 = arith.constant 0 : index
    %get3A_40 = arith.constant 0 : index
    %get3A_41 = arith.constant 0 : index
    %get3A_42 = vector.load %arg9[%get3A_39, %get3A_40, %get3A_41] : memref<1x1x128xf32, #tpu.memory_space<vmem>>, vector<1x1x1xf32>
    %get3A_43 = vector.extract %get3A_42[0, 0, 0] : f32 from vector<1x1x1xf32>
    %get3A_44 = arith.constant 0 : index
    %get3A_45 = arith.constant 0 : index
    %get3A_46 = arith.constant 1 : index
    %get3A_47 = vector.load %arg9[%get3A_44, %get3A_45, %get3A_46] : memref<1x1x128xf32, #tpu.memory_space<vmem>>, vector<1x1x1xf32>
    %get3A_48 = vector.extract %get3A_47[0, 0, 0] : f32 from vector<1x1x1xf32>
    %sub3A = arith.subf %get3A_3, %get3A_13 : vector<1x1024xf32>
    %sub3A_49 = arith.constant 1.000000e+00 : f32
    %sub3A_50 = arith.subf %get3A_48, %sub3A_49 : f32
    %jit3A = arith.constant 0.000000e+00 : f32
    %max3A = vector.broadcast %jit3A : f32 to vector<1x1024xf32>
    %max3A_51 = arith.maximumf %max3A, %sub3A : vector<1x1024xf32>
    %min3A = vector.broadcast %sub3A_50 : f32 to vector<1x1024xf32>
    %min3A_52 = arith.minimumf %min3A, %max3A_51 : vector<1x1024xf32>
    %sub3A_53 = arith.subf %get3A_8, %get3A_18 : vector<1x1024xf32>
    %sub3A_54 = arith.constant 1.000000e+00 : f32
    %sub3A_55 = arith.subf %get3A_43, %sub3A_54 : f32
    %jit3A_56 = arith.constant 0.000000e+00 : f32
    %max3A_57 = vector.broadcast %jit3A_56 : f32 to vector<1x1024xf32>
    %max3A_58 = arith.maximumf %max3A_57, %sub3A_53 : vector<1x1024xf32>
    %min3A_59 = vector.broadcast %sub3A_55 : f32 to vector<1x1024xf32>
    %min3A_60 = arith.minimumf %min3A_59, %max3A_58 : vector<1x1024xf32>
    %add3A = arith.addf %get3A_3, %get3A_23 : vector<1x1024xf32>
    %sub3A_61 = arith.constant 1.000000e+00 : f32
    %sub3A_62 = arith.subf %get3A_48, %sub3A_61 : f32
    %jit3A_63 = arith.constant 0.000000e+00 : f32
    %max3A_64 = vector.broadcast %jit3A_63 : f32 to vector<1x1024xf32>
    %max3A_65 = arith.maximumf %max3A_64, %add3A : vector<1x1024xf32>
    %min3A_66 = vector.broadcast %sub3A_62 : f32 to vector<1x1024xf32>
    %min3A_67 = arith.minimumf %min3A_66, %max3A_65 : vector<1x1024xf32>
    %add3A_68 = arith.addf %get3A_8, %get3A_28 : vector<1x1024xf32>
    %sub3A_69 = arith.constant 1.000000e+00 : f32
    %sub3A_70 = arith.subf %get3A_43, %sub3A_69 : f32
    %jit3A_71 = arith.constant 0.000000e+00 : f32
    %max3A_72 = vector.broadcast %jit3A_71 : f32 to vector<1x1024xf32>
    %max3A_73 = arith.maximumf %max3A_72, %add3A_68 : vector<1x1024xf32>
    %min3A_74 = vector.broadcast %sub3A_70 : f32 to vector<1x1024xf32>
    %min3A_75 = arith.minimumf %min3A_74, %max3A_73 : vector<1x1024xf32>
    %sub3A_76 = arith.subf %min3A_67, %min3A_52 : vector<1x1024xf32>
    %add3A_77 = arith.constant 1.000000e+00 : f32
    %add3A_78 = vector.broadcast %add3A_77 : f32 to vector<1x1024xf32>
    %add3A_79 = arith.addf %sub3A_76, %add3A_78 : vector<1x1024xf32>
    %sub3A_80 = arith.subf %min3A_75, %min3A_60 : vector<1x1024xf32>
    %add3A_81 = arith.constant 1.000000e+00 : f32
    %add3A_82 = vector.broadcast %add3A_81 : f32 to vector<1x1024xf32>
    %add3A_83 = arith.addf %sub3A_80, %add3A_82 : vector<1x1024xf32>
    %gt3A = arith.constant 0.000000e+00 : f32
    %gt3A_84 = vector.broadcast %gt3A : f32 to vector<1x1024xf32>
    %gt3A_85 = arith.cmpf ogt, %get3A_33, %gt3A_84 : vector<1x1024xf32>
    %ge3A = arith.constant 0.000000e+00 : f32
    %ge3A_86 = vector.broadcast %ge3A : f32 to vector<1x1024xf32>
    %ge3A_87 = arith.cmpf oge, %add3A_79, %ge3A_86 : vector<1x1024xf32>
    %and3A = arith.andi %gt3A_85, %ge3A_87 : vector<1x1024xi1>
    %ge3A_88 = arith.constant 0.000000e+00 : f32
    %ge3A_89 = vector.broadcast %ge3A_88 : f32 to vector<1x1024xf32>
    %ge3A_90 = arith.cmpf oge, %add3A_83, %ge3A_89 : vector<1x1024xf32>
    %and3A_91 = arith.andi %and3A, %ge3A_90 : vector<1x1024xi1>
    %jit3A_92 = arith.constant 0xFF800000 : f32
    %broadcast_in_dim3A = vector.broadcast %jit3A_92 : f32 to vector<1x1024xf32>
    %select_n3A = arith.select %and3A_91, %min3A_52, %broadcast_in_dim3A : vector<1x1024xi1>, vector<1x1024xf32>
    %reduce_max3A = vector.shape_cast %select_n3A : vector<1x1024xf32> to vector<1x1x1024xf32>
    %reduce_max3A_93 = arith.constant dense<0xFF800000> : vector<1xf32>
    %reduce_max3A_94 = vector.multi_reduction <maximumf>, %reduce_max3A, %reduce_max3A_93 [1, 2] : vector<1x1x1024xf32> to vector<1xf32>
    %reduce_max3A_95 = vector.shape_cast %reduce_max3A_94 : vector<1xf32> to vector<1x1x1xf32>
    %reduce_max3A_96 = vector.extract %reduce_max3A_95[0, 0, 0] : f32 from vector<1x1x1xf32>
    %jit3A_97 = arith.constant 0xFF800000 : f32
    %broadcast_in_dim3A_98 = vector.broadcast %jit3A_97 : f32 to vector<1x1024xf32>
    %select_n3A_99 = arith.select %and3A_91, %min3A_60, %broadcast_in_dim3A_98 : vector<1x1024xi1>, vector<1x1024xf32>
    %reduce_max3A_100 = vector.shape_cast %select_n3A_99 : vector<1x1024xf32> to vector<1x1x1024xf32>
    %reduce_max3A_101 = arith.constant dense<0xFF800000> : vector<1xf32>
    %reduce_max3A_102 = vector.multi_reduction <maximumf>, %reduce_max3A_100, %reduce_max3A_101 [1, 2] : vector<1x1x1024xf32> to vector<1xf32>
    %reduce_max3A_103 = vector.shape_cast %reduce_max3A_102 : vector<1xf32> to vector<1x1x1xf32>
    %reduce_max3A_104 = vector.extract %reduce_max3A_103[0, 0, 0] : f32 from vector<1x1x1xf32>
    %max3A_105 = arith.maximumf %reduce_max3A_96, %reduce_max3A_104 : f32
    %jit3A_106 = arith.constant 0xFF800000 : f32
    %broadcast_in_dim3A_107 = vector.broadcast %jit3A_106 : f32 to vector<1x1024xf32>
    %select_n3A_108 = arith.select %and3A_91, %min3A_67, %broadcast_in_dim3A_107 : vector<1x1024xi1>, vector<1x1024xf32>
    %reduce_max3A_109 = vector.shape_cast %select_n3A_108 : vector<1x1024xf32> to vector<1x1x1024xf32>
    %reduce_max3A_110 = arith.constant dense<0xFF800000> : vector<1xf32>
    %reduce_max3A_111 = vector.multi_reduction <maximumf>, %reduce_max3A_109, %reduce_max3A_110 [1, 2] : vector<1x1x1024xf32> to vector<1xf32>
    %reduce_max3A_112 = vector.shape_cast %reduce_max3A_111 : vector<1xf32> to vector<1x1x1xf32>
    %reduce_max3A_113 = vector.extract %reduce_max3A_112[0, 0, 0] : f32 from vector<1x1x1xf32>
    %jit3A_114 = arith.constant 0xFF800000 : f32
    %broadcast_in_dim3A_115 = vector.broadcast %jit3A_114 : f32 to vector<1x1024xf32>
    %select_n3A_116 = arith.select %and3A_91, %min3A_75, %broadcast_in_dim3A_115 : vector<1x1024xi1>, vector<1x1024xf32>
    %reduce_max3A_117 = vector.shape_cast %select_n3A_116 : vector<1x1024xf32> to vector<1x1x1024xf32>
    %reduce_max3A_118 = arith.constant dense<0xFF800000> : vector<1xf32>
    %reduce_max3A_119 = vector.multi_reduction <maximumf>, %reduce_max3A_117, %reduce_max3A_118 [1, 2] : vector<1x1x1024xf32> to vector<1xf32>
    %reduce_max3A_120 = vector.shape_cast %reduce_max3A_119 : vector<1xf32> to vector<1x1x1xf32>
    %reduce_max3A_121 = vector.extract %reduce_max3A_120[0, 0, 0] : f32 from vector<1x1x1xf32>
    %max3A_122 = arith.maximumf %reduce_max3A_113, %reduce_max3A_121 : f32
    %max3A_123 = arith.maximumf %max3A_105, %max3A_122 : f32
    %eq3A = arith.constant 0xFF800000 : f32
    %eq3A_124 = arith.cmpf oeq, %max3A_123, %eq3A : f32
    %jit3A_125 = arith.constant 0.000000e+00 : f32
    %select_n3A_126 = arith.select %eq3A_124, %jit3A_125, %max3A_123 : f32
    %add3A_127 = arith.constant 1.000000e+00 : f32
    %add3A_128 = arith.addf %select_n3A_126, %add3A_127 : f32
    %mul3A = vector.broadcast %add3A_128 : f32 to vector<1x1024xf32>
    %mul3A_129 = arith.mulf %get3A_38, %mul3A : vector<1x1024xf32>
    %add3A_130 = arith.addf %min3A_52, %mul3A_129 : vector<1x1024xf32>
    %add3A_131 = arith.addf %min3A_60, %mul3A_129 : vector<1x1024xf32>
    %add3A_132 = arith.addf %min3A_67, %mul3A_129 : vector<1x1024xf32>
    %add3A_133 = arith.addf %min3A_75, %mul3A_129 : vector<1x1024xf32>
    %sub3A_134 = arith.subf %add3A_132, %add3A_130 : vector<1x1024xf32>
    %add3A_135 = arith.constant 1.000000e+00 : f32
    %add3A_136 = vector.broadcast %add3A_135 : f32 to vector<1x1024xf32>
    %add3A_137 = arith.addf %sub3A_134, %add3A_136 : vector<1x1024xf32>
    %sub3A_138 = arith.subf %add3A_133, %add3A_131 : vector<1x1024xf32>
    %add3A_139 = arith.constant 1.000000e+00 : f32
    %add3A_140 = vector.broadcast %add3A_139 : f32 to vector<1x1024xf32>
    %add3A_141 = arith.addf %sub3A_138, %add3A_140 : vector<1x1024xf32>
    %mul3A_142 = arith.mulf %add3A_137, %add3A_141 : vector<1x1024xf32>
    %iota3A = tpu.iota {dimensions = array<i32: 1>} : vector<1x1024xi32>
    %jit3A_143 = arith.constant 1.000000e+00 : f32
    %jit3A_144 = arith.constant 0.000000e+00 : f32
    %broadcast_in_dim3A_145 = vector.broadcast %jit3A_143 : f32 to vector<1x1024xf32>
    %broadcast_in_dim3A_146 = vector.broadcast %jit3A_144 : f32 to vector<1x1024xf32>
    %select_n3A_147 = arith.select %and3A_91, %broadcast_in_dim3A_145, %broadcast_in_dim3A_146 : vector<1x1024xi1>, vector<1x1024xf32>
    %broadcast_in_dim3A_148 = arith.constant 0.000000e+00 : f32
    %broadcast_in_dim3A_149 = vector.broadcast %broadcast_in_dim3A_148 : f32 to vector<1x1024xf32>
    %scan3A = arith.constant 0 : i32
    %scan3A_150 = arith.constant 1000 : i32
    %scan3A_151 = arith.addi %scan3A, %scan3A_150 : i32
    %scan3A_152 = arith.constant 1 : i32
    %scan3A_153 = scf.for %scan3A_236 = %scan3A to %scan3A_151 step %scan3A_152 iter_args(%scan3A_237 = %broadcast_in_dim3A_149) -> (vector<1x1024xf32>)  : i32 {
      %eq3A_238 = vector.broadcast %scan3A_236 : i32 to vector<1x1024xi32>
      %eq3A_239 = arith.cmpi eq, %iota3A, %eq3A_238 : vector<1x1024xi32>
      %jit3A_240 = arith.constant 1.000000e+00 : f32
      %jit3A_241 = arith.constant 0.000000e+00 : f32
      %broadcast_in_dim3A_242 = vector.broadcast %jit3A_240 : f32 to vector<1x1024xf32>
      %broadcast_in_dim3A_243 = vector.broadcast %jit3A_241 : f32 to vector<1x1024xf32>
      %select_n3A_244 = arith.select %eq3A_239, %broadcast_in_dim3A_242, %broadcast_in_dim3A_243 : vector<1x1024xi1>, vector<1x1024xf32>
      %mul3A_245 = arith.mulf %select_n3A_244, %add3A_130 : vector<1x1024xf32>
      %reduce_sum3A = vector.shape_cast %mul3A_245 : vector<1x1024xf32> to vector<1x1x1024xf32>
      %reduce_sum3A_246 = arith.constant dense<0.000000e+00> : vector<1xf32>
      %reduce_sum3A_247 = vector.multi_reduction <add>, %reduce_sum3A, %reduce_sum3A_246 [1, 2] : vector<1x1x1024xf32> to vector<1xf32>
      %reduce_sum3A_248 = vector.shape_cast %reduce_sum3A_247 : vector<1xf32> to vector<1x1x1xf32>
      %reduce_sum3A_249 = vector.extract %reduce_sum3A_248[0, 0, 0] : f32 from vector<1x1x1xf32>
      %mul3A_250 = arith.mulf %select_n3A_244, %add3A_131 : vector<1x1024xf32>
      %reduce_sum3A_251 = vector.shape_cast %mul3A_250 : vector<1x1024xf32> to vector<1x1x1024xf32>
      %reduce_sum3A_252 = arith.constant dense<0.000000e+00> : vector<1xf32>
      %reduce_sum3A_253 = vector.multi_reduction <add>, %reduce_sum3A_251, %reduce_sum3A_252 [1, 2] : vector<1x1x1024xf32> to vector<1xf32>
      %reduce_sum3A_254 = vector.shape_cast %reduce_sum3A_253 : vector<1xf32> to vector<1x1x1xf32>
      %reduce_sum3A_255 = vector.extract %reduce_sum3A_254[0, 0, 0] : f32 from vector<1x1x1xf32>
      %mul3A_256 = arith.mulf %select_n3A_244, %add3A_132 : vector<1x1024xf32>
      %reduce_sum3A_257 = vector.shape_cast %mul3A_256 : vector<1x1024xf32> to vector<1x1x1024xf32>
      %reduce_sum3A_258 = arith.constant dense<0.000000e+00> : vector<1xf32>
      %reduce_sum3A_259 = vector.multi_reduction <add>, %reduce_sum3A_257, %reduce_sum3A_258 [1, 2] : vector<1x1x1024xf32> to vector<1xf32>
      %reduce_sum3A_260 = vector.shape_cast %reduce_sum3A_259 : vector<1xf32> to vector<1x1x1xf32>
      %reduce_sum3A_261 = vector.extract %reduce_sum3A_260[0, 0, 0] : f32 from vector<1x1x1xf32>
      %mul3A_262 = arith.mulf %select_n3A_244, %add3A_133 : vector<1x1024xf32>
      %reduce_sum3A_263 = vector.shape_cast %mul3A_262 : vector<1x1024xf32> to vector<1x1x1024xf32>
      %reduce_sum3A_264 = arith.constant dense<0.000000e+00> : vector<1xf32>
      %reduce_sum3A_265 = vector.multi_reduction <add>, %reduce_sum3A_263, %reduce_sum3A_264 [1, 2] : vector<1x1x1024xf32> to vector<1xf32>
      %reduce_sum3A_266 = vector.shape_cast %reduce_sum3A_265 : vector<1xf32> to vector<1x1x1xf32>
      %reduce_sum3A_267 = vector.extract %reduce_sum3A_266[0, 0, 0] : f32 from vector<1x1x1xf32>
      %mul3A_268 = arith.mulf %select_n3A_244, %mul3A_142 : vector<1x1024xf32>
      %reduce_sum3A_269 = vector.shape_cast %mul3A_268 : vector<1x1024xf32> to vector<1x1x1024xf32>
      %reduce_sum3A_270 = arith.constant dense<0.000000e+00> : vector<1xf32>
      %reduce_sum3A_271 = vector.multi_reduction <add>, %reduce_sum3A_269, %reduce_sum3A_270 [1, 2] : vector<1x1x1024xf32> to vector<1xf32>
      %reduce_sum3A_272 = vector.shape_cast %reduce_sum3A_271 : vector<1xf32> to vector<1x1x1xf32>
      %reduce_sum3A_273 = vector.extract %reduce_sum3A_272[0, 0, 0] : f32 from vector<1x1x1xf32>
      %mul3A_274 = arith.mulf %select_n3A_244, %select_n3A_147 : vector<1x1024xf32>
      %sub3A_275 = arith.constant 1.000000e+00 : f32
      %sub3A_276 = vector.broadcast %sub3A_275 : f32 to vector<1x1024xf32>
      %sub3A_277 = arith.subf %sub3A_276, %scan3A_237 : vector<1x1024xf32>
      %mul3A_278 = arith.mulf %mul3A_274, %sub3A_277 : vector<1x1024xf32>
      %reduce_sum3A_279 = vector.shape_cast %mul3A_278 : vector<1x1024xf32> to vector<1x1x1024xf32>
      %reduce_sum3A_280 = arith.constant dense<0.000000e+00> : vector<1xf32>
      %reduce_sum3A_281 = vector.multi_reduction <add>, %reduce_sum3A_279, %reduce_sum3A_280 [1, 2] : vector<1x1x1024xf32> to vector<1xf32>
      %reduce_sum3A_282 = vector.shape_cast %reduce_sum3A_281 : vector<1xf32> to vector<1x1x1xf32>
      %reduce_sum3A_283 = vector.extract %reduce_sum3A_282[0, 0, 0] : f32 from vector<1x1x1xf32>
      %max3A_284 = vector.broadcast %reduce_sum3A_249 : f32 to vector<1x1024xf32>
      %max3A_285 = arith.maximumf %max3A_284, %add3A_130 : vector<1x1024xf32>
      %max3A_286 = vector.broadcast %reduce_sum3A_255 : f32 to vector<1x1024xf32>
      %max3A_287 = arith.maximumf %max3A_286, %add3A_131 : vector<1x1024xf32>
      %min3A_288 = vector.broadcast %reduce_sum3A_261 : f32 to vector<1x1024xf32>
      %min3A_289 = arith.minimumf %min3A_288, %add3A_132 : vector<1x1024xf32>
      %min3A_290 = vector.broadcast %reduce_sum3A_267 : f32 to vector<1x1024xf32>
      %min3A_291 = arith.minimumf %min3A_290, %add3A_133 : vector<1x1024xf32>
      %sub3A_292 = arith.subf %min3A_289, %max3A_285 : vector<1x1024xf32>
      %add3A_293 = arith.constant 1.000000e+00 : f32
      %add3A_294 = vector.broadcast %add3A_293 : f32 to vector<1x1024xf32>
      %add3A_295 = arith.addf %sub3A_292, %add3A_294 : vector<1x1024xf32>
      %max3A_296 = arith.constant 0.000000e+00 : f32
      %max3A_297 = vector.broadcast %max3A_296 : f32 to vector<1x1024xf32>
      %max3A_298 = arith.maximumf %max3A_297, %add3A_295 : vector<1x1024xf32>
      %sub3A_299 = arith.subf %min3A_291, %max3A_287 : vector<1x1024xf32>
      %add3A_300 = arith.constant 1.000000e+00 : f32
      %add3A_301 = vector.broadcast %add3A_300 : f32 to vector<1x1024xf32>
      %add3A_302 = arith.addf %sub3A_299, %add3A_301 : vector<1x1024xf32>
      %max3A_303 = arith.constant 0.000000e+00 : f32
      %max3A_304 = vector.broadcast %max3A_303 : f32 to vector<1x1024xf32>
      %max3A_305 = arith.maximumf %max3A_304, %add3A_302 : vector<1x1024xf32>
      %mul3A_306 = arith.mulf %max3A_298, %max3A_305 : vector<1x1024xf32>
      %add3A_307 = vector.broadcast %reduce_sum3A_273 : f32 to vector<1x1024xf32>
      %add3A_308 = arith.addf %add3A_307, %mul3A_142 : vector<1x1024xf32>
      %sub3A_309 = arith.subf %add3A_308, %mul3A_306 : vector<1x1024xf32>
      %div3A = arith.divf %mul3A_306, %sub3A_309 : vector<1x1024xf32>
      %gt3A_310 = arith.constant 6.000000e-01 : f32
      %gt3A_311 = vector.broadcast %gt3A_310 : f32 to vector<1x1024xf32>
      %gt3A_312 = arith.cmpf ogt, %div3A, %gt3A_311 : vector<1x1024xf32>
      %gt3A_313 = vector.broadcast %scan3A_236 : i32 to vector<1x1024xi32>
      %gt3A_314 = arith.cmpi sgt, %iota3A, %gt3A_313 : vector<1x1024xi32>
      %and3A_315 = arith.andi %gt3A_312, %gt3A_314 : vector<1x1024xi1>
      %jit3A_316 = arith.constant 1.000000e+00 : f32
      %jit3A_317 = arith.constant 0.000000e+00 : f32
      %broadcast_in_dim3A_318 = vector.broadcast %jit3A_316 : f32 to vector<1x1024xf32>
      %broadcast_in_dim3A_319 = vector.broadcast %jit3A_317 : f32 to vector<1x1024xf32>
      %select_n3A_320 = arith.select %and3A_315, %broadcast_in_dim3A_318, %broadcast_in_dim3A_319 : vector<1x1024xi1>, vector<1x1024xf32>
      %gt3A_321 = arith.constant 5.000000e-01 : f32
      %gt3A_322 = arith.cmpf ogt, %reduce_sum3A_283, %gt3A_321 : f32
      %max3A_323 = arith.maximumf %scan3A_237, %select_n3A_320 : vector<1x1024xf32>
      %select_n3A_324 = arith.select %gt3A_322, %max3A_323, %scan3A_237 : vector<1x1024xf32>
      scf.yield %select_n3A_324 : vector<1x1024xf32>
    }
    %scan3A_154 = arith.constant 1000 : i32
    %lt3A = arith.constant 5.000000e-01 : f32
    %lt3A_155 = vector.broadcast %lt3A : f32 to vector<1x1024xf32>
    %lt3A_156 = arith.cmpf olt, %scan3A_153, %lt3A_155 : vector<1x1024xf32>
    %and3A_157 = arith.andi %and3A_91, %lt3A_156 : vector<1x1024xi1>
    %jit3A_158 = arith.constant 1.000000e+00 : f32
    %jit3A_159 = arith.constant 0.000000e+00 : f32
    %broadcast_in_dim3A_160 = vector.broadcast %jit3A_158 : f32 to vector<1x1024xf32>
    %broadcast_in_dim3A_161 = vector.broadcast %jit3A_159 : f32 to vector<1x1024xf32>
    %select_n3A_162 = arith.select %and3A_157, %broadcast_in_dim3A_160, %broadcast_in_dim3A_161 : vector<1x1024xi1>, vector<1x1024xf32>
    %broadcast_in_dim3A_163 = arith.constant 0.000000e+00 : f32
    %broadcast_in_dim3A_164 = vector.broadcast %broadcast_in_dim3A_163 : f32 to vector<1x1xf32>
    %slice3A = vector.extract_strided_slice %select_n3A_162 {offsets = [0, 0], sizes = [1, 1023], strides = [1, 1]} : vector<1x1024xf32> to vector<1x1023xf32>
    %concatenate3A = tpu.concatenate %broadcast_in_dim3A_164, %slice3A in 1 : vector<1x1xf32>, vector<1x1023xf32> -> vector<1x1024xf32>
    %add3A_165 = arith.addf %select_n3A_162, %concatenate3A : vector<1x1024xf32>
    %broadcast_in_dim3A_166 = arith.constant 0.000000e+00 : f32
    %broadcast_in_dim3A_167 = vector.broadcast %broadcast_in_dim3A_166 : f32 to vector<1x2xf32>
    %slice3A_168 = vector.extract_strided_slice %add3A_165 {offsets = [0, 0], sizes = [1, 1022], strides = [1, 1]} : vector<1x1024xf32> to vector<1x1022xf32>
    %concatenate3A_169 = tpu.concatenate %broadcast_in_dim3A_167, %slice3A_168 in 1 : vector<1x2xf32>, vector<1x1022xf32> -> vector<1x1024xf32>
    %add3A_170 = arith.addf %add3A_165, %concatenate3A_169 : vector<1x1024xf32>
    %broadcast_in_dim3A_171 = arith.constant 0.000000e+00 : f32
    %broadcast_in_dim3A_172 = vector.broadcast %broadcast_in_dim3A_171 : f32 to vector<1x4xf32>
    %slice3A_173 = vector.extract_strided_slice %add3A_170 {offsets = [0, 0], sizes = [1, 1020], strides = [1, 1]} : vector<1x1024xf32> to vector<1x1020xf32>
    %concatenate3A_174 = tpu.concatenate %broadcast_in_dim3A_172, %slice3A_173 in 1 : vector<1x4xf32>, vector<1x1020xf32> -> vector<1x1024xf32>
    %add3A_175 = arith.addf %add3A_170, %concatenate3A_174 : vector<1x1024xf32>
    %broadcast_in_dim3A_176 = arith.constant 0.000000e+00 : f32
    %broadcast_in_dim3A_177 = vector.broadcast %broadcast_in_dim3A_176 : f32 to vector<1x8xf32>
    %slice3A_178 = vector.extract_strided_slice %add3A_175 {offsets = [0, 0], sizes = [1, 1016], strides = [1, 1]} : vector<1x1024xf32> to vector<1x1016xf32>
    %concatenate3A_179 = tpu.concatenate %broadcast_in_dim3A_177, %slice3A_178 in 1 : vector<1x8xf32>, vector<1x1016xf32> -> vector<1x1024xf32>
    %add3A_180 = arith.addf %add3A_175, %concatenate3A_179 : vector<1x1024xf32>
    %broadcast_in_dim3A_181 = arith.constant 0.000000e+00 : f32
    %broadcast_in_dim3A_182 = vector.broadcast %broadcast_in_dim3A_181 : f32 to vector<1x16xf32>
    %slice3A_183 = vector.extract_strided_slice %add3A_180 {offsets = [0, 0], sizes = [1, 1008], strides = [1, 1]} : vector<1x1024xf32> to vector<1x1008xf32>
    %concatenate3A_184 = tpu.concatenate %broadcast_in_dim3A_182, %slice3A_183 in 1 : vector<1x16xf32>, vector<1x1008xf32> -> vector<1x1024xf32>
    %add3A_185 = arith.addf %add3A_180, %concatenate3A_184 : vector<1x1024xf32>
    %broadcast_in_dim3A_186 = arith.constant 0.000000e+00 : f32
    %broadcast_in_dim3A_187 = vector.broadcast %broadcast_in_dim3A_186 : f32 to vector<1x32xf32>
    %slice3A_188 = vector.extract_strided_slice %add3A_185 {offsets = [0, 0], sizes = [1, 992], strides = [1, 1]} : vector<1x1024xf32> to vector<1x992xf32>
    %concatenate3A_189 = tpu.concatenate %broadcast_in_dim3A_187, %slice3A_188 in 1 : vector<1x32xf32>, vector<1x992xf32> -> vector<1x1024xf32>
    %add3A_190 = arith.addf %add3A_185, %concatenate3A_189 : vector<1x1024xf32>
    %broadcast_in_dim3A_191 = arith.constant 0.000000e+00 : f32
    %broadcast_in_dim3A_192 = vector.broadcast %broadcast_in_dim3A_191 : f32 to vector<1x64xf32>
    %slice3A_193 = vector.extract_strided_slice %add3A_190 {offsets = [0, 0], sizes = [1, 960], strides = [1, 1]} : vector<1x1024xf32> to vector<1x960xf32>
    %concatenate3A_194 = tpu.concatenate %broadcast_in_dim3A_192, %slice3A_193 in 1 : vector<1x64xf32>, vector<1x960xf32> -> vector<1x1024xf32>
    %add3A_195 = arith.addf %add3A_190, %concatenate3A_194 : vector<1x1024xf32>
    %broadcast_in_dim3A_196 = arith.constant 0.000000e+00 : f32
    %broadcast_in_dim3A_197 = vector.broadcast %broadcast_in_dim3A_196 : f32 to vector<1x128xf32>
    %slice3A_198 = vector.extract_strided_slice %add3A_195 {offsets = [0, 0], sizes = [1, 896], strides = [1, 1]} : vector<1x1024xf32> to vector<1x896xf32>
    %concatenate3A_199 = tpu.concatenate %broadcast_in_dim3A_197, %slice3A_198 in 1 : vector<1x128xf32>, vector<1x896xf32> -> vector<1x1024xf32>
    %add3A_200 = arith.addf %add3A_195, %concatenate3A_199 : vector<1x1024xf32>
    %broadcast_in_dim3A_201 = arith.constant 0.000000e+00 : f32
    %broadcast_in_dim3A_202 = vector.broadcast %broadcast_in_dim3A_201 : f32 to vector<1x256xf32>
    %slice3A_203 = vector.extract_strided_slice %add3A_200 {offsets = [0, 0], sizes = [1, 768], strides = [1, 1]} : vector<1x1024xf32> to vector<1x768xf32>
    %concatenate3A_204 = tpu.concatenate %broadcast_in_dim3A_202, %slice3A_203 in 1 : vector<1x256xf32>, vector<1x768xf32> -> vector<1x1024xf32>
    %add3A_205 = arith.addf %add3A_200, %concatenate3A_204 : vector<1x1024xf32>
    %broadcast_in_dim3A_206 = arith.constant 0.000000e+00 : f32
    %broadcast_in_dim3A_207 = vector.broadcast %broadcast_in_dim3A_206 : f32 to vector<1x512xf32>
    %slice3A_208 = vector.extract_strided_slice %add3A_205 {offsets = [0, 0], sizes = [1, 512], strides = [1, 1]} : vector<1x1024xf32> to vector<1x512xf32>
    %concatenate3A_209 = tpu.concatenate %broadcast_in_dim3A_207, %slice3A_208 in 1 : vector<1x512xf32>, vector<1x512xf32> -> vector<1x1024xf32>
    %add3A_210 = arith.addf %add3A_205, %concatenate3A_209 : vector<1x1024xf32>
    %sub3A_211 = arith.constant 1.000000e+00 : f32
    %sub3A_212 = vector.broadcast %sub3A_211 : f32 to vector<1x1024xf32>
    %sub3A_213 = arith.subf %add3A_210, %sub3A_212 : vector<1x1024xf32>
    %convert_element_type3A = arith.fptosi %sub3A_213 : vector<1x1024xf32> to vector<1x1024xi32>
    %lt3A_214 = arith.constant 100 : i32
    %lt3A_215 = vector.broadcast %lt3A_214 : i32 to vector<1x1024xi32>
    %lt3A_216 = arith.cmpi slt, %convert_element_type3A, %lt3A_215 : vector<1x1024xi32>
    %and3A_217 = arith.andi %and3A_157, %lt3A_216 : vector<1x1024xi1>
    %iota3A_218 = tpu.iota {dimensions = array<i32: 0>} : vector<128x1024xi32>
    %eq3A_219 = vector.broadcast %convert_element_type3A : vector<1x1024xi32> to vector<128x1024xi32>
    %eq3A_220 = arith.cmpi eq, %iota3A_218, %eq3A_219 : vector<128x1024xi32>
    %and3A_221 = vector.broadcast %and3A_217 : vector<1x1024xi1> to vector<128x1024xi1>
    %and3A_222 = arith.andi %eq3A_220, %and3A_221 : vector<128x1024xi1>
    %jit3A_223 = arith.constant 1.000000e+00 : f32
    %jit3A_224 = arith.constant 0.000000e+00 : f32
    %broadcast_in_dim3A_225 = vector.broadcast %jit3A_223 : f32 to vector<128x1024xf32>
    %broadcast_in_dim3A_226 = vector.broadcast %jit3A_224 : f32 to vector<128x1024xf32>
    %select_n3A_227 = arith.select %and3A_222, %broadcast_in_dim3A_225, %broadcast_in_dim3A_226 : vector<128x1024xi1>, vector<128x1024xf32>
    %broadcast_in_dim3A_228 = arith.constant 0.000000e+00 : f32
    %broadcast_in_dim3A_229 = vector.broadcast %broadcast_in_dim3A_228 : f32 to vector<2x1024xf32>
    %concatenate3A_230 = tpu.concatenate %min3A_52, %min3A_60, %min3A_67, %min3A_75, %get3A_33, %get3A_38, %broadcast_in_dim3A_229 in 0 : vector<1x1024xf32>, vector<1x1024xf32>, vector<1x1024xf32>, vector<1x1024xf32>, vector<1x1024xf32>, vector<1x1024xf32>, vector<2x1024xf32> -> vector<8x1024xf32>
    %dot_general3A = arith.constant dense<0.000000e+00> : vector<128x8xf32>
    %dot_general3A_231 = tpu.matmul %select_n3A_227, %concatenate3A_230, %dot_general3A {dimension_numbers = #tpu.dot_dimension_numbers<[1], [1], [0], [0], [0, 0, 1, 0], [], []>, transpose_lhs_hint = false} : vector<128x1024xf32>, vector<8x1024xf32>, vector<128x8xf32> -> vector<128x8xf32>
    %broadcast_in_dim3A_232 = vector.shape_cast %dot_general3A_231 : vector<128x8xf32> to vector<1x128x8xf32>
    %swap3A = arith.constant 0 : index
    %swap3A_233 = arith.constant 0 : index
    %swap3A_234 = arith.constant 0 : index
    %swap3A_235 = vector.load %arg10[%swap3A, %swap3A_233, %swap3A_234] : memref<1x128x8xf32, #tpu.memory_space<vmem>>, vector<1x128x8xf32>
    tpu.vector_store %arg10[%swap3A, %swap3A_233, %swap3A_234], %broadcast_in_dim3A_232 {strides = array<i32>} : memref<1x128x8xf32, #tpu.memory_space<vmem>>, vector<1x128x8xf32>,
    return
  }
  func.func @transform_0(%arg0: i32) -> (i32, i32, i32) {
    %c0_i32 = arith.constant 0 : i32
    %c0_i32_0 = arith.constant 0 : i32
    %c0_i32_1 = arith.constant 0 : i32
    return %arg0, %c0_i32, %c0_i32_0 : i32, i32, i32
  }
  func.func @transform_1(%arg0: i32) -> (i32, i32, i32) {
    %c0_i32 = arith.constant 0 : i32
    %c0_i32_0 = arith.constant 0 : i32
    %c0_i32_1 = arith.constant 0 : i32
    return %arg0, %c0_i32, %c0_i32_0 : i32, i32, i32
  }
  func.func @transform_2(%arg0: i32) -> (i32, i32, i32) {
    %c0_i32 = arith.constant 0 : i32
    %c0_i32_0 = arith.constant 0 : i32
    %c0_i32_1 = arith.constant 0 : i32
    return %arg0, %c0_i32, %c0_i32_0 : i32, i32, i32
  }
  func.func @transform_3(%arg0: i32) -> (i32, i32, i32) {
    %c0_i32 = arith.constant 0 : i32
    %c0_i32_0 = arith.constant 0 : i32
    %c0_i32_1 = arith.constant 0 : i32
    return %arg0, %c0_i32, %c0_i32_0 : i32, i32, i32
  }
  func.func @transform_4(%arg0: i32) -> (i32, i32, i32) {
    %c0_i32 = arith.constant 0 : i32
    %c0_i32_0 = arith.constant 0 : i32
    %c0_i32_1 = arith.constant 0 : i32
    return %arg0, %c0_i32, %c0_i32_0 : i32, i32, i32
  }
  func.func @transform_5(%arg0: i32) -> (i32, i32, i32) {
    %c0_i32 = arith.constant 0 : i32
    %c0_i32_0 = arith.constant 0 : i32
    %c0_i32_1 = arith.constant 0 : i32
    return %arg0, %c0_i32, %c0_i32_0 : i32, i32, i32
  }
  func.func @transform_6(%arg0: i32) -> (i32, i32, i32) {
    %c0_i32 = arith.constant 0 : i32
    %c0_i32_0 = arith.constant 0 : i32
    %c0_i32_1 = arith.constant 0 : i32
    return %arg0, %c0_i32, %c0_i32_0 : i32, i32, i32
  }
  func.func @transform_7(%arg0: i32) -> (i32, i32, i32) {
    %c0_i32 = arith.constant 0 : i32
    %c0_i32_0 = arith.constant 0 : i32
    %c0_i32_1 = arith.constant 0 : i32
    return %arg0, %c0_i32, %c0_i32_0 : i32, i32, i32
  }
  func.func @transform_8(%arg0: i32) -> (i32, i32, i32) {
    %c0_i32 = arith.constant 0 : i32
    %c0_i32_0 = arith.constant 0 : i32
    %c0_i32_1 = arith.constant 0 : i32
    return %arg0, %c0_i32, %c0_i32_0 : i32, i32, i32
  }
  func.func @transform_9(%arg0: i32) -> (i32, i32, i32) {
    %c0_i32 = arith.constant 0 : i32
    %c0_i32_0 = arith.constant 0 : i32
    %c0_i32_1 = arith.constant 0 : i32
    return %arg0, %c0_i32, %c0_i32_0 : i32, i32, i32
  }
}

</mosaic_0001>

<sc_bundles>
// kernel: gather_offload_async_start.1
scs
__scs_entry_jumppad:
0x0: {  	(pc) =	sbr.rel $0x88, $3  }
0x1: {  	(tag) =	ssettag $0x0;
	lr =	simm.s32 $0x1  }
0x2: {  	[smem:$0x3F9A] =	sst lr;
	_ =	strace $0xD0000000  }
0x3: {  	_ = 	snop  }
0x4: {  	_ = 	snop  }
0x5: {  	_ = 	snop  }
0x6: {  	_ = 	snop  }
0x7: {  	_ = 	snop  }
__scs_overlays_trampoline_lowered:
0x8: {  	[smem:$0x3FA9] =	sst s0  }
0x9: {  	[smem:$0x3FAA] =	sst s1  }
0xa: {  	[smem:$0x3FAB] =	sst s2  }
0xb: {  	[smem:$0x3FAC] =	sst s3  }
0xc: {  	[smem:$0x3FAD] =	sst s4  }
0xd: {  	[smem:$0x3FAE] =	sst s5  }
0xe: {  	[smem:$0x3FAF] =	sst s6  }
0xf: {  	[smem:$0x3FB0] =	sst s7  }
0x10: {  	[smem:$0x3FB1] =	sst s8  }
0x11: {  	[smem:$0x3FB2] =	sst s9;
	s0 =	simm.s32 @!p0 $0x0  }
0x12: {  	s1 =	sld [smem:$0x3F98];
	s0 =	simm.s32 @p0 $0x1  }
0x13: {  	[smem:$0x3FB3] =	sst s0;
	s0 =	simm.s32 @!p1 $0x0  }
0x14: {  	s2 =	sld [smem:$0x3F97];
	s0 =	simm.s32 @p1 $0x1  }
0x15: {  	[smem:$0x3FB4] =	sst s0;
	s0 =	simm.s32 @!p2 $0x0  }
0x16: {  	s3 =	sld [smem:$0x3FDB];
	s0 =	simm.s32 @p2 $0x1  }
0x17: {  	s4 =	simm.s32 $0x1BF5;
	[smem:$0x3FB6] =	sst s0  }
0x18: {  	s0 =	sld [smem:$0x3F99];
	_ =	swait.ge [sflag:s4], $0x0  }
0x19: {  	s7 =	sld [smem:$0x3F9A]  }
0x1a: {  	s8 =	sadd.s32 $0xFFFFE003, lr  }
0x1b: {  	s9 =	sadd.s32 $0xFFFFFEF7, lr;
	s5 =	simm.s32 $0xFFFFFFFF;
	p2 =	slt.u32 s8, $0xFFFFF086  }
0x1c: {  	p1 =	slt.u32 s9, $0xF7A;
	s5 =	simm.s32 @!p2 $0x0  }
0x1d: {  	s5 =	simm.s32 @p1 $0x1;
	p0 =	seq.s32 s7, s2  }
0x1e: {  	s7 =	smul.u32 @!p0 $0xF7A, s2;
	p2 =	seq.s32 @!p0 s5, $0x0  }
0x1f: {  	s9 =	smul.u32 $0xF7A, s1;
	s8 =	simm.s32 @!p0 $0x1BF5;
	p2 =	por !p2, p0  }
0x20: {  	[sflag:s8] =	ssyncset.s32 @!p0 $0xFFFFF086;
	s6 =	sadd.s32 @!p0 s3, s7;
	s7 =	simm.s32 @!p0 $0x108  }
0x21: {  	s3 =	sadd.s32 s3, s9;
	s6 =	sadd.s32 @!p0 $0x88, s6;
	s7 =	simm.s32 @p2 $0x1082  }
0x22: {  	[simem:s7], [sflag:s8] =	dma.local @!p0 [hbm:s6], $0xF7A  }
0x23: {  	s9 =	sor.u32 $0xD0000000, s2;
	s6 =	simm.s32 $0x108;
	_ =	swait.ge @!p0 [sflag:s8], $0x0  }
0x24: {  	s3 =	sadd.s32 $0x88, s3;
	s6 =	simm.s32 @!p1 $0x1082;
	[sflag:s4] =	ssyncset.s32 $0xFFFFF086  }
0x25: {  	[simem:s6], [sflag:s4] =	dma.local [hbm:s3], $0xF7A  }
0x26: {  	[smem:$0x3F9A] =	sst s1;
	(tag) =	ssettag s2;
	_ =	strace s9  }
0x27: {  	s1 =	sld [smem:$0x3FAA]  }
0x28: {  	s2 =	sld [smem:$0x3FAB]  }
0x29: {  	s4 =	sld [smem:$0x3FAD]  }
0x2a: {  	p0 =	seq.s32 s5, $0x0;
	s5 =	sld [smem:$0x3FAE]  }
0x2b: {  	s6 =	sld [smem:$0x3FAF]  }
0x2c: {  	s7 =	sld [smem:$0x3FB0]  }
0x2d: {  	s3 =	simm.s32 $0x108;
	s8 =	sld [smem:$0x3FB1]  }
0x2e: {  	s3 =	simm.s32 @!p0 $0x1082;
	s9 =	sld [smem:$0x3FB2]  }
0x2f: {  	lr =	sadd.s32 s0, s3;
	s0 =	sld [smem:$0x3FA9]  }
0x30: {  	s3 =	sld [smem:$0x3FAC]  }
0x31: {  	[smem:$0x3FB5] =	sst s10  }
0x32: {  	s10 =	sld [smem:$0x3FB3];
	_ =	sdelay $0x3  }
0x33: {  	p0 =	seq.s32 s10, $0x1;
	s10 =	sld [smem:$0x3FB5];
	_ =	sdelay $0x3  }
0x34: {  	[smem:$0x3FB5] =	sst s10  }
0x35: {  	s10 =	sld [smem:$0x3FB4];
	_ =	sdelay $0x3  }
0x36: {  	p1 =	seq.s32 s10, $0x1;
	s10 =	sld [smem:$0x3FB5];
	_ =	sdelay $0x3  }
0x37: {  	[smem:$0x3FB5] =	sst s10  }
0x38: {  	s10 =	sld [smem:$0x3FB6]  }
0x39: {  	_ = 	snop;
	(pc) =	sbr.ind lr, $3  }
0x3a: {  	_ = 	snop  }
0x3b: {  	_ = 	snop  }
0x3c: {  	p2 =	seq.s32 s10, $0x1;
	s10 =	sld [smem:$0x3FB5]  }
0x3d: {  	_ =	shalt  }
0x3e: {  	_ =	shalt  }
0x3f: {  	_ =	shalt  }
0x40: {  	_ =	shalt  }
0x41: {  	_ =	shalt  }
0x42: {  	_ =	shalt  }
0x43: {  	_ =	shalt  }
0x44: {  	_ =	shalt  }
0x45: {  	_ =	shalt  }
0x46: {  	_ =	shalt  }
0x47: {  	_ =	shalt  }
0x48: {  	_ =	shalt  }
0x49: {  	_ =	shalt  }
0x4a: {  	_ =	shalt  }
0x4b: {  	_ =	shalt  }
0x4c: {  	_ =	shalt  }
0x4d: {  	_ =	shalt  }
0x4e: {  	_ =	shalt  }
0x4f: {  	_ =	shalt  }
0x50: {  	_ =	shalt  }
0x51: {  	_ =	shalt  }
0x52: {  	_ =	shalt  }
0x53: {  	_ =	shalt  }
0x54: {  	_ =	shalt  }
0x55: {  	_ =	shalt  }
0x56: {  	_ =	shalt  }
0x57: {  	_ =	shalt  }
0x58: {  	_ =	shalt  }
0x59: {  	_ =	shalt  }
0x5a: {  	_ =	shalt  }
0x5b: {  	_ =	shalt  }
0x5c: {  	_ =	shalt  }
0x5d: {  	_ =	shalt  }
0x5e: {  	_ =	shalt  }
0x5f: {  	_ =	shalt  }
0x60: {  	_ =	shalt  }
0x61: {  	_ =	shalt  }
0x62: {  	_ =	shalt  }
0x63: {  	_ =	shalt  }
0x64: {  	_ =	shalt  }
0x65: {  	_ =	shalt  }
0x66: {  	_ =	shalt  }
0x67: {  	_ =	shalt  }
0x68: {  	_ =	shalt  }
0x69: {  	_ =	shalt  }
0x6a: {  	_ =	shalt  }
0x6b: {  	_ =	shalt  }
0x6c: {  	_ =	shalt  }
0x6d: {  	_ =	shalt  }
0x6e: {  	_ =	shalt  }
0x6f: {  	_ =	shalt  }
0x70: {  	_ =	shalt  }
0x71: {  	_ =	shalt  }
0x72: {  	_ =	shalt  }
0x73: {  	_ =	shalt  }
0x74: {  	_ =	shalt  }
0x75: {  	_ =	shalt  }
0x76: {  	_ =	shalt  }
0x77: {  	_ =	shalt  }
0x78: {  	_ =	shalt  }
0x79: {  	_ =	shalt  }
0x7a: {  	_ =	shalt  }
0x7b: {  	_ =	shalt  }
0x7c: {  	_ =	shalt  }
0x7d: {  	_ =	shalt  }
0x7e: {  	_ =	shalt  }
0x7f: {  	_ =	shalt  }
0x80: {  	_ =	shalt  }
0x81: {  	_ =	shalt  }
0x82: {  	_ =	shalt  }
0x83: {  	_ =	shalt  }
0x84: {  	_ =	shalt  }
0x85: {  	_ =	shalt  }
0x86: {  	_ =	shalt  }
0x87: {  	_ =	shalt  }
.Lfunc_end0:
.L_simem_size_0:
called_computation.1_lowered:
.L_overlay_start_0:
0x88: {  	s2 =	sld [smem:$0x3FD9]  }
0x89: {  	s3 =	sld [smem:$0x3FFE];
	_ =	sdelay $0x1  }
0x8a: {  	s1 =	srdreg.scid  }
0x8b: {  	s0 =	sand.u32 $0x1, s1  }
0x8c: {  	s17 =	sshll.u32 s0, $0xA;
	s2 =	sadd.s32 s3, s2  }
0x8d: {  	s2 =	sadd.s32 s2, s17  }
0x8e: {  	[smem:$0x3FC1] =	sst s2  }
0x8f: {  	_ = 	snop  }
0x90: {  	s2 =	sld [smem:$0x3FC9];
	(tm) =	ssettm $0x1  }
0x91: {  	s18 =	sld [smem:$0x3FFB];
	_ =	sdelay $0x3  }
0x92: {  	_ =	strace s18  }
0x93: {  	s3 =	sld [smem:$0x3FFC];
	_ =	sdelay $0x3  }
0x94: {  	_ =	strace s3  }
0x95: {  	s3 =	sld [smem:$0x3FFD];
	_ =	sdelay $0x3  }
0x96: {  	_ =	strace s3  }
0x97: {  	_ =	strace $0x8FFFFFFF  }
0x98: {  	s19 =	sld [smem:$0x3FDB];
	_ =	sdelay $0x1  }
0x99: {  	s4 =	simm.s32 $_scs_section_size  }
0x9a: {  	s5 =	simm.s32 $_size__tile_overlayer_lowered;
	s6 =	simm.s32 $_tile_overlayer_lowered  }
0x9b: {  	s22 =	simm.s32 $0x1BFF;
	s21 =	sshll.u32 s6, $0x1;
	s3 =	sadd.s32 s4, s19  }
0x9c: {  	s7 =	simm.s32 $0x0;
	s20 =	sshll.u32 s5, $0x1;
	s5 =	sadd.s32 s21, s3  }
0x9d: {  	[timem:s7], [sflag:s22] =	dma.local [hbm:s5], s20  }
0x9e: {  	_ =	swait.ge [sflag:s22], s20  }
0x9f: {  	s4 =	ssub.s32 $0x0, s20;
	[sflag:s22] =	ssyncset.done $0x0  }
0xa0: {  	[sflag:s22] =	ssyncadd.s32 s4;
	_ =	sdelay $0x1  }
0xa1: {  	s23 =	simm.s32 $0x1B8B  }
0xa2: {  	_ =	swait.ge [sflag:s23], $0x1  }
0xa3: {  	[sflag:s23] =	ssyncset.done $0x0  }
0xa4: {  	s25 =	simm.s32 $0x1B8E;
	s24 =	sld [smem:$0x3FFE];
	[sflag:s23] =	ssyncadd.s32 $0xFFFFFFFF  }
0xa5: {  	s26 =	simm.s32 $execute0_lowered;
	[smem:$0x3FD2] =	sst s25  }
0xa6: {  	s5 =	sshll.u32 s26, $0x1;
	_ =	strace $0x80000052;
	[dreg:$0x1] =	wrdreg $0xFFFFFFFF  }
0xa7: {  	s28 =	simm.s32 $_size_execute0_lowered;
	s3 =	sadd.s32 s3, s5;
	[dreg:$0x0] =	wrdreg $0x0  }
0xa8: {  	s5 =	sshll.u32 s28, $0x1;
	[dreg:$0x2] =	wrdreg s3  }
0xa9: {  	[dreg:$0x3] =	wrdreg s5  }
0xaa: {  	[dreg:$0x4] =	wrdreg $0xC0  }
0xab: {  	_ =	task [dreg:s7], $0x5FFFF  }
0xac: {  	[dreg:$0x1] =	wrdreg $0xFFFFFFFF  }
0xad: {  	[dreg:$0x0] =	wrdreg $0x60  }
0xae: {  	[dreg:$0x2] =	wrdreg s2  }
0xaf: {  	[dreg:$0x3] =	wrdreg s24  }
0xb0: {  	[dreg:$0x4] =	wrdreg $0x9  }
0xb1: {  	_ =	task.clear_ibuf [dreg:s7], $0x5FFFF;
	_ =	strace $0x90000052  }
0xb2: {  	s29 =	simm.s32 $0x9;
	_ =	strace $0x80000054  }
0xb3: {  	_ =	swait.ge [sflag:s29], $0x1  }
0xb4: {  	[sflag:s29] =	ssyncadd.s32 $0xFFFFFFFF  }
0xb5: {  	_ =	strace $0x90000054  }
0xb6: {  	_ =	sfence  }
0xb7: {  	s30 =	sld [smem:$0x0];
	_ =	sdelay $0x2  }
0xb8: {  	s31 =	sshll.u32 s1, $0xD;
	s1 =	sshrl.u32 s1, $0x2  }
0xb9: {  	s3 =	sand.u32 $0x4000, s31;
	s1 =	sadd.s32 s1, s30  }
0xba: {  	s0 =	sor.u32 s3, s0;
	s1 =	sshll.u32 s1, $0x11  }
0xbb: {  	s0 =	sor.u32 s1, s0  }
0xbc: {  	s0 =	sadd.s32 $0x8F2B, s0  }
0xbd: {  	[sflag:s0] =	ssyncadd.remote.s32 $0x1  }
0xbe: {  	_ =	sfence.sel $0xFFFF  }
0xbf: {  	[dreg:$0x0] =	wrdreg $0xFFFFFFFF;
	(pc) =	sbr.abs _section_cstart, $3  }
0xc0: {  	[dreg:$0x1] =	wrdreg $0xFFFFFFFF  }
0xc1: {  	_ =	task.clear_ibuf [dreg:s7], $0x2FFFF;
	_ =	strace $0x9FFFFFFF  }
0xc2: {  	(tm) =	ssettm $0x7FFFFFFF  }
0xc3: {  	_ =	shalt  }
tec
execute0_lowered:
.L_overlay_start_1:
0x0: {  	(tag) =	ssettag $0x1  }
0x1: {  	s2 =	rddreg [dreg:$0x0];
	s0 =	stileid.u32  }
0x2: {  	s1 =	srdreg.scid;
	s8 =	rddreg [dreg:$0x1]  }
0x3: {  	s5 =	simm.s32 $0x1;
	s9 =	simm.s32 $0x1;
	s10 =	simm.s32 $0x3  }
0x4: {  	s13 =	simm.s32 $0x0;
	s3 =	sand.u32 $0x1, s1;
	s4 =	sshll.u32 s0, $0x1  }
0x5: {  	s12 =	simm.s32 $0x0;
	s1 =	rddreg [dreg:$0x2];
	s6 =	sor.u32 s4, s3  }
0x6: {  	_ =	strace $0x80000053;
	s3 =	sadd.s32 $0x1000, s8;
	s4 =	smul.u32 $0xA0, s6  }
0x7: {  	[sflag:s5] =	ssyncpa.u1 $0x0;
	p0 =	slt.u32 s6, $0x13;
	s6 =	simm.s32 $0x1400  }
.Ltmp0:
0x8: {  	s6 =	simm.s32 @!p0 $0x0;
	s7 =	ssub.s32 $0x1F40, s4;
	(pc) =	sbr.rel .LBB2_1-.Ltmp0, $4  }
0x9: {  	s9 =	simm.s32 @!p0 $0x0;
	p0 =	sne.s32 s7, s6;
	s7 =	simm.s32 $0x1  }
0xa: {  	s8 =	sadd.s32 $0x1400, s8;
	s6 =	simm.s32 $0x2;
	s7 =	simm.s32 @!p0 $0x0  }
0xb: {  	s11 =	smov.u32 s4;
	[sflag:s6] =	ssyncpa.u1 $0x0;
	s7 =	sadd.s32 s9, s7  }
0xc: {  	vm0 =	vmmov $0xffff;
	[sflag:s10] =	ssyncpa.u1 $0x0;
	s10 =	simm.s32 $0x0;
	s9 =	sadd.s32 $0x1, s7  }
.LBB2_4:
0xd: {  	vm2 =	veq.s32 v2, $0x80000000;
	v4 =	vand.u32 $0x1, v4;
	v5 =	vor.u32 v6, v5  }
0xe: {  	v1 =	vand.u32 $0x7FFF, v1;
	v7 =	vshrl.u32 v2, $0xF;
	v56 =	vand.u32 $0x7FFF, v2  }
0xf: {  	v4 =	vsel vm1, $0xFFFFFFFF, v4;
	v3 =	vor.u32 v3, v5;
	v1 =	vsel vm1, $0xFFFFFFFF, v1  }
0x10: {  	vm1 =	vmmov vm2;
	v7 =	vand.u32 $0x1, v7;
	v54 =	vshrl.u32 v4, $0x1  }
0x11: {  	v4 =	vshll.u32 v4, $0x7;
	v55 =	vshll.u32 v1, $0x1;
	v57 =	vsel vm1, $0xFFFFFFFF, v7  }
0x12: {  	v2 =	vsel vm1, $0xFFFFFFFF, v56;
	v1 =	vand.u32 $0x7F, v1;
	v5 =	vmul.u32 $0x9D00, v54  }
0x13: {  	v6 =	vand.u32 $0xFFFFFF00, v55;
	v4 =	vand.u32 $0x80, v4;
	v7 =	vshrl.u32 v57, $0x1  }
0x14: {  	v59 =	vshll.u32 v2, $0x1;
	v58 =	vmul.u32 $0x9D00, v7;
	v5 =	vadd.s32 v6, v5  }
0x15: {  	v7 =	vand.u32 $0xFFFFFF00, v59;
	v6 =	vshll.u32 v57, $0x7;
	v4 =	vor.u32 v4, v5  }
0x16: {  	v60 =	vadd.s32 v7, v58;
	v61 =	vand.u32 $0x80, v6;
	v1 =	vor.u32 v1, v4  }
0x17: {  	[tilespmem:s16], [sflag:$0x1] =	stream.indirect_vreg.gather [hbm4b:s2+s10], $0x1, v0, vm0, $0x4038;
	v62 =	vand.u32 $0x7F, v2;
	v63 =	vor.u32 v61, v60;
	[tilespmem:$0x280] =	vst v63  }
0x18: {  	(ifvalue) =	ssetifvalue $0x7FFFFFFF;
	v0 =	vor.u32 v62, v63  }
0x19: {  	[tilespmem:s15], [sflag:$0x1] =	stream.indirect_vreg.gather [hbm4b:s2+s10], $0x1, v3, vm0, $0x4038;
	[tilespmem:$0x280] =	vst v63  }
0x1a: {  	s29 =	sadd.s32 $0x10, s15;
	(ifvalue) =	ssetifvalue $0x7FFFFFFF  }
0x1b: {  	[tilespmem:s29], [sflag:$0x1] =	stream.indirect_vreg.gather [hbm4b:s2+s10], $0x1, v1, vm0, $0x4038;
	[tilespmem:$0x280] =	vst v63  }
0x1c: {  	s15 =	sadd.s32 $0x10, s29;
	(ifvalue) =	ssetifvalue $0x7FFFFFFF  }
0x1d: {  	[tilespmem:s15], [sflag:$0x1] =	stream.indirect_vreg.gather [hbm4b:s2+s10], $0x1, v0, vm0, $0x4038;
	[tilespmem:$0x280] =	vst v63  }
0x1e: {  	_ =	swait.ge [sflag:s5], $0xA0  }
0x1f: {  	s30 =	sshrl.u32 s13, $0x3;
	[sflag:s5] =	ssyncset.done $0x0  }
0x20: {  	s31 =	sand.u32 $0x7, s13;
	s15 =	sadd.s32 s8, s30;
	[sflag:s5] =	ssyncadd.s32 $0xFFFFFF60  }
0x21: {  	[hbm4b:s15+s31] =	stream.linear.scatter [tilespmem:s14], [sflag:$0x3], $0xA0, $0x38;
	[tilespmem:$0x280] =	vst v63  }
.LBB2_5:
0x22: {  	s15 =	sadd.s32 $0x1400, s11  }
0x23: {  	p1 =	sgt.s32 s15, $0x1F3F  }
0x24: {  	s15 =	smov.u32 @p1 s4;
	p1 =	sne.s32 s12, s9  }
.Ltmp1:
0x25: {  	p0 =	slt.u32 s12, $0x2;
	(pc) =	sbr.rel @!p1 .LBB2_6-.Ltmp1, $4  }
0x26: {  	s14 =	simm.s32 @!p0 $0x3  }
0x27: {  	_ =	swait.ge @!p0 [sflag:s14], $0xA0  }
0x28: {  	s16 =	sadd.s32 $0x1, s12;
	s13 =	smov.u32 s11;
	[sflag:s14] =	ssyncset.done @!p0 $0x0  }
0x29: {  	s12 =	smov.u32 s16;
	s11 =	smov.u32 s15;
	[sflag:s14] =	ssyncadd.s32 @!p0 $0xFFFFFF60  }
.LBB2_1:
0x2a: {  	p0 =	sge.u32 s12, s7  }
0x2b: {  	s14 =	sxor.u32 @!p0 $0x1, s12  }
0x2c: {  	s14 =	smul.u32 @!p0 $0x280, s14  }
0x2d: {  	s31 =	sadd.s32 $0xFFFFFFFF, s12;
	s15 =	sshrl.u32 @!p0 s11, $0x3  }
0x2e: {  	s16 =	sand.u32 @!p0 $0x7, s11;
	s15 =	sadd.s32 @!p0 s3, s15;
	s14 =	sshra.s32 @!p0 s14, $0x2  }
0x2f: {  	[tilespmem:s14], [sflag:$0x2] =	stream.linear.gather @!p0 [hbm4b:s15+s16], $0xA0, $0x38;
	[tilespmem:$0x280] =	vst v63  }
0x30: {  	p0 =	sge.u32 s31, s7  }
.Ltmp2:
0x31: {  	_ = 	snop;
	(pc) =	sbr.rel @p0 .LBB2_5-.Ltmp2, $1  }
0x32: {  	_ =	sdelay $0x3  }
0x33: {  	s14 =	sand.u32 $0x1, s12  }
0x34: {  	_ =	swait.ge [sflag:s6], $0xA0;
	p0 =	seq.s32 s14, $0x1;
	s14 =	simm.s32 $0xA0  }
0x35: {  	[sflag:s6] =	ssyncset.done $0x0;
	s14 =	simm.s32 @!p0 $0x0  }
0x36: {  	[sflag:s6] =	ssyncadd.s32 $0xFFFFFF60;
	(ifvalue) =	ssetifvalue $0x7FFFFFFF;
	v0 =	vld.msk [tilespmem:s14+$0x0 ss:$0x1], $0xffff;
	_ =	sdelay $0x2  }
0x37: {  	s15 =	sadd.s32 $0x10, s14  }
0x38: {  	v2 =	vld.msk [tilespmem:s15+$0x0 ss:$0x1], $0xffff  }
0x39: {  	vm1 =	veq.s32 v0, $0x80000000;
	v1 =	vshrl.u32 v0, $0xF  }
0x3a: {  	vm1 =	vmmov vm1;
	v3 =	vand.u32 $0x1, v1  }
0x3b: {  	v0 =	vand.u32 $0x7FFF, v0;
	v3 =	vsel vm1, $0xFFFFFFFF, v3  }
0x3c: {  	s15 =	sadd.s32 $0x10, s15;
	v0 =	vsel vm1, $0xFFFFFFFF, v0;
	v4 =	vshrl.u32 v3, $0x1  }
0x3d: {  	v1 =	vld.msk [tilespmem:s15+$0x0 ss:$0x1], $0xffff;
	v6 =	vshrl.u32 v2, $0xF;
	v5 =	vshll.u32 v0, $0x1;
	v4 =	vmul.u32 $0x9D00, v4  }
0x3e: {  	vm1 =	veq.s32 v2, $0x80000000;
	v3 =	vshll.u32 v3, $0x7;
	v5 =	vand.u32 $0xFFFFFF00, v5  }
0x3f: {  	v0 =	vand.u32 $0x7F, v0;
	v3 =	vand.u32 $0x80, v3;
	v4 =	vadd.s32 v5, v4  }
0x40: {  	vm1 =	vmmov vm1;
	v5 =	vand.u32 $0x1, v6;
	v3 =	vor.u32 v3, v4  }
0x41: {  	v2 =	vand.u32 $0x7FFF, v2;
	v4 =	vsel vm1, $0xFFFFFFFF, v5;
	v0 =	vor.u32 v0, v3  }
0x42: {  	s15 =	sadd.s32 $0x10, s15;
	vm2 =	veq.s32 v1, $0x80000000;
	v3 =	vsel vm1, $0xFFFFFFFF, v2;
	v2 =	vshrl.u32 v4, $0x1  }
0x43: {  	s14 =	sor.u32 $0x140, s14;
	v6 =	vshll.u32 v4, $0x7;
	v5 =	vmul.u32 $0x9D00, v2;
	v4 =	vshll.u32 v3, $0x1;
	v2 =	vld.msk [tilespmem:s15+$0x0 ss:$0x1], $0xffff  }
0x44: {  	s17 =	simm.s32 $0x30;
	s16 =	smov.u32 s14;
	vm1 =	vmmov vm2;
	v3 =	vand.u32 $0x7F, v3;
	v7 =	vand.u32 $0xFFFFFF00, v4  }
0x45: {  	s18 =	sadd.s32 $0x10, s15;
	v6 =	vand.u32 $0x80, v6;
	(ifvalue) =	ssetifvalue $0x7FFFFFFF;
	s15 =	sadd.s32 $0x10, s14;
	v4 =	vshrl.u32 v1, $0xF;
	v5 =	vadd.s32 v7, v5  }
.LBB2_3:
0x46: {  	[tilespmem:s16], [sflag:$0x1] =	stream.indirect_vreg.gather [hbm4b:s2+s10], $0x1, v0, vm0, $0x4038;
	[tilespmem:$0x280] =	vst v63  }
0x47: {  	s17 =	sadd.s32 $0x10, s17  }
0x48: {  	vm2 =	veq.s32 v2, $0x80000000;
	v4 =	vand.u32 $0x1, v4;
	v5 =	vor.u32 v6, v5;
	v6 =	vmovc v2;
	v2 =	vld.msk [tilespmem:s18+$0x0 ss:$0x1], $0xffff;
	p0 =	slt.u32 s17, $0x90  }
.Ltmp3:
0x49: {  	v7 =	vand.u32 $0x7FFF, v1;
	s16 =	smov.u32 s15;
	v4 =	vsel vm1, $0xFFFFFFFF, v4;
	v0 =	vor.u32 v3, v5;
	v1 =	vmovc v6;
	(pc) =	sbr.rel @p0 .LBB2_3-.Ltmp3, $4  }
0x4a: {  	v5 =	vsel vm1, $0xFFFFFFFF, v7;
	v6 =	vshrl.u32 v4, $0x1;
	v7 =	vshll.u32 v4, $0x7  }
0x4b: {  	v3 =	vand.u32 $0x7F, v5;
	v4 =	vshll.u32 v5, $0x1;
	v6 =	vmul.u32 $0x9D00, v6  }
0x4c: {  	vm1 =	vmmov vm2;
	v5 =	vand.u32 $0xFFFFFF00, v4  }
0x4d: {  	s18 =	sadd.s32 $0x10, s18;
	s15 =	sadd.s32 $0x10, s15;
	v4 =	vshrl.u32 v1, $0xF;
	v5 =	vadd.s32 v5, v6;
	v6 =	vand.u32 $0x80, v7;
	(ifvalue) =	ssetifvalue $0x7FFFFFFF  }
.Ltmp4:
0x4e: {  	_ = 	snop;
	(pc) =	sbr.rel .LBB2_4-.Ltmp4, $1  }
0x4f: {  	_ =	sdelay $0x3  }
.LBB2_6:
0x50: {  	_ =	sfence.sel $0x180000  }
0x51: {  	s2 =	simm.s32 $0x2;
	[bflag:$0x0] =	sbarrier.arrive $0xFFFF  }
0x52: {  	s30 =	simm.s32 $0x3;
	[sflag:s2] =	ssyncpa.u1 $0x1  }
0x53: {  	s31 =	simm.s32 $0x1;
	[sflag:s30] =	ssyncpa.u1 $0x1  }
0x54: {  	[sflag:s31] =	ssyncpa.u1 $0x1  }
0x55: {  	p0 =	sne.s32 s0, $0x0;
	_ =	strace $0x90000053  }
0x56: {  	s0 =	sadd.s32 @!p0 $0x100000, s1;
	[bflag:$0x2] =	sbarrier.arrive $0xFFFF  }
0x57: {  	[sflag:s0] =	ssyncadd.tile.s32 @!p0 $0x1;
	_ =	shalt  }
.Lfunc_end2:
_tile_overlayer_lowered:
.L_overlay_start_2:
0x58: {  	(tag) =	ssettag $0x2  }
0x59: {  	s0 =	rddreg [dreg:$0x0];
	s2 =	stileid.u32  }
0x5a: {  	s1 =	rddreg [dreg:$0x1];
	p0 =	sne.s32 s2, $0x0  }
0x5b: {  	s3 =	rddreg [dreg:$0x2];
	[bflag:$0x3] =	sbarrier.arrive $0xFFFF;
	s2 =	simm.s32 @!p0 $0x1C01  }
0x5c: {  	[timem:s3], [sflag:s2] =	dma.local @!p0 [hbm:s0], s1  }
0x5d: {  	s0 =	simm.s32 @!p0 $0x1  }
0x5e: {  	_ =	swait.ge @!p0 [sflag:s0], s1  }
0x5f: {  	s1 =	ssub.s32 @!p0 $0x0, s1;
	[sflag:s0] =	ssyncset.done @!p0 $0x0  }
0x60: {  	[sflag:s0] =	ssyncadd.s32 @!p0 s1  }
0x61: {  	[bflag:$0x3] =	sbarrier.arrive $0xFFFF  }
0x62: {  	_ =	shalt  }

// kernel: gather_offload_async_start.2
scs
__scs_entry_jumppad:
0x0: {  	(pc) =	sbr.rel $0x88, $3  }
0x1: {  	(tag) =	ssettag $0x0;
	lr =	simm.s32 $0x1  }
0x2: {  	[smem:$0x3F9A] =	sst lr;
	_ =	strace $0xD0000000  }
0x3: {  	_ = 	snop  }
0x4: {  	_ = 	snop  }
0x5: {  	_ = 	snop  }
0x6: {  	_ = 	snop  }
0x7: {  	_ = 	snop  }
__scs_overlays_trampoline_lowered:
0x8: {  	[smem:$0x3FA9] =	sst s0  }
0x9: {  	[smem:$0x3FAA] =	sst s1  }
0xa: {  	[smem:$0x3FAB] =	sst s2  }
0xb: {  	[smem:$0x3FAC] =	sst s3  }
0xc: {  	[smem:$0x3FAD] =	sst s4  }
0xd: {  	[smem:$0x3FAE] =	sst s5  }
0xe: {  	[smem:$0x3FAF] =	sst s6  }
0xf: {  	[smem:$0x3FB0] =	sst s7  }
0x10: {  	[smem:$0x3FB1] =	sst s8  }
0x11: {  	[smem:$0x3FB2] =	sst s9;
	s0 =	simm.s32 @!p0 $0x0  }
0x12: {  	s1 =	sld [smem:$0x3F98];
	s0 =	simm.s32 @p0 $0x1  }
0x13: {  	[smem:$0x3FB3] =	sst s0;
	s0 =	simm.s32 @!p1 $0x0  }
0x14: {  	s2 =	sld [smem:$0x3F97];
	s0 =	simm.s32 @p1 $0x1  }
0x15: {  	[smem:$0x3FB4] =	sst s0;
	s0 =	simm.s32 @!p2 $0x0  }
0x16: {  	s3 =	sld [smem:$0x3FDB];
	s0 =	simm.s32 @p2 $0x1  }
0x17: {  	s4 =	simm.s32 $0x1BF5;
	[smem:$0x3FB6] =	sst s0  }
0x18: {  	s0 =	sld [smem:$0x3F99];
	_ =	swait.ge [sflag:s4], $0x0  }
0x19: {  	s7 =	sld [smem:$0x3F9A]  }
0x1a: {  	s8 =	sadd.s32 $0xFFFFE003, lr  }
0x1b: {  	s9 =	sadd.s32 $0xFFFFFEF7, lr;
	s5 =	simm.s32 $0xFFFFFFFF;
	p2 =	slt.u32 s8, $0xFFFFF086  }
0x1c: {  	p1 =	slt.u32 s9, $0xF7A;
	s5 =	simm.s32 @!p2 $0x0  }
0x1d: {  	s5 =	simm.s32 @p1 $0x1;
	p0 =	seq.s32 s7, s2  }
0x1e: {  	s7 =	smul.u32 @!p0 $0xF7A, s2;
	p2 =	seq.s32 @!p0 s5, $0x0  }
0x1f: {  	s9 =	smul.u32 $0xF7A, s1;
	s8 =	simm.s32 @!p0 $0x1BF5;
	p2 =	por !p2, p0  }
0x20: {  	[sflag:s8] =	ssyncset.s32 @!p0 $0xFFFFF086;
	s6 =	sadd.s32 @!p0 s3, s7;
	s7 =	simm.s32 @!p0 $0x108  }
0x21: {  	s3 =	sadd.s32 s3, s9;
	s6 =	sadd.s32 @!p0 $0x88, s6;
	s7 =	simm.s32 @p2 $0x1082  }
0x22: {  	[simem:s7], [sflag:s8] =	dma.local @!p0 [hbm:s6], $0xF7A  }
0x23: {  	s9 =	sor.u32 $0xD0000000, s2;
	s6 =	simm.s32 $0x108;
	_ =	swait.ge @!p0 [sflag:s8], $0x0  }
0x24: {  	s3 =	sadd.s32 $0x88, s3;
	s6 =	simm.s32 @!p1 $0x1082;
	[sflag:s4] =	ssyncset.s32 $0xFFFFF086  }
0x25: {  	[simem:s6], [sflag:s4] =	dma.local [hbm:s3], $0xF7A  }
0x26: {  	[smem:$0x3F9A] =	sst s1;
	(tag) =	ssettag s2;
	_ =	strace s9  }
0x27: {  	s1 =	sld [smem:$0x3FAA]  }
0x28: {  	s2 =	sld [smem:$0x3FAB]  }
0x29: {  	s4 =	sld [smem:$0x3FAD]  }
0x2a: {  	p0 =	seq.s32 s5, $0x0;
	s5 =	sld [smem:$0x3FAE]  }
0x2b: {  	s6 =	sld [smem:$0x3FAF]  }
0x2c: {  	s7 =	sld [smem:$0x3FB0]  }
0x2d: {  	s3 =	simm.s32 $0x108;
	s8 =	sld [smem:$0x3FB1]  }
0x2e: {  	s3 =	simm.s32 @!p0 $0x1082;
	s9 =	sld [smem:$0x3FB2]  }
0x2f: {  	lr =	sadd.s32 s0, s3;
	s0 =	sld [smem:$0x3FA9]  }
0x30: {  	s3 =	sld [smem:$0x3FAC]  }
0x31: {  	[smem:$0x3FB5] =	sst s10  }
0x32: {  	s10 =	sld [smem:$0x3FB3];
	_ =	sdelay $0x3  }
0x33: {  	p0 =	seq.s32 s10, $0x1;
	s10 =	sld [smem:$0x3FB5];
	_ =	sdelay $0x3  }
0x34: {  	[smem:$0x3FB5] =	sst s10  }
0x35: {  	s10 =	sld [smem:$0x3FB4];
	_ =	sdelay $0x3  }
0x36: {  	p1 =	seq.s32 s10, $0x1;
	s10 =	sld [smem:$0x3FB5];
	_ =	sdelay $0x3  }
0x37: {  	[smem:$0x3FB5] =	sst s10  }
0x38: {  	s10 =	sld [smem:$0x3FB6]  }
0x39: {  	_ = 	snop;
	(pc) =	sbr.ind lr, $3  }
0x3a: {  	_ = 	snop  }
0x3b: {  	_ = 	snop  }
0x3c: {  	p2 =	seq.s32 s10, $0x1;
	s10 =	sld [smem:$0x3FB5]  }
0x3d: {  	_ =	shalt  }
0x3e: {  	_ =	shalt  }
0x3f: {  	_ =	shalt  }
0x40: {  	_ =	shalt  }
0x41: {  	_ =	shalt  }
0x42: {  	_ =	shalt  }
0x43: {  	_ =	shalt  }
0x44: {  	_ =	shalt  }
0x45: {  	_ =	shalt  }
0x46: {  	_ =	shalt  }
0x47: {  	_ =	shalt  }
0x48: {  	_ =	shalt  }
0x49: {  	_ =	shalt  }
0x4a: {  	_ =	shalt  }
0x4b: {  	_ =	shalt  }
0x4c: {  	_ =	shalt  }
0x4d: {  	_ =	shalt  }
0x4e: {  	_ =	shalt  }
0x4f: {  	_ =	shalt  }
0x50: {  	_ =	shalt  }
0x51: {  	_ =	shalt  }
0x52: {  	_ =	shalt  }
0x53: {  	_ =	shalt  }
0x54: {  	_ =	shalt  }
0x55: {  	_ =	shalt  }
0x56: {  	_ =	shalt  }
0x57: {  	_ =	shalt  }
0x58: {  	_ =	shalt  }
0x59: {  	_ =	shalt  }
0x5a: {  	_ =	shalt  }
0x5b: {  	_ =	shalt  }
0x5c: {  	_ =	shalt  }
0x5d: {  	_ =	shalt  }
0x5e: {  	_ =	shalt  }
0x5f: {  	_ =	shalt  }
0x60: {  	_ =	shalt  }
0x61: {  	_ =	shalt  }
0x62: {  	_ =	shalt  }
0x63: {  	_ =	shalt  }
0x64: {  	_ =	shalt  }
0x65: {  	_ =	shalt  }
0x66: {  	_ =	shalt  }
0x67: {  	_ =	shalt  }
0x68: {  	_ =	shalt  }
0x69: {  	_ =	shalt  }
0x6a: {  	_ =	shalt  }
0x6b: {  	_ =	shalt  }
0x6c: {  	_ =	shalt  }
0x6d: {  	_ =	shalt  }
0x6e: {  	_ =	shalt  }
0x6f: {  	_ =	shalt  }
0x70: {  	_ =	shalt  }
0x71: {  	_ =	shalt  }
0x72: {  	_ =	shalt  }
0x73: {  	_ =	shalt  }
0x74: {  	_ =	shalt  }
0x75: {  	_ =	shalt  }
0x76: {  	_ =	shalt  }
0x77: {  	_ =	shalt  }
0x78: {  	_ =	shalt  }
0x79: {  	_ =	shalt  }
0x7a: {  	_ =	shalt  }
0x7b: {  	_ =	shalt  }
0x7c: {  	_ =	shalt  }
0x7d: {  	_ =	shalt  }
0x7e: {  	_ =	shalt  }
0x7f: {  	_ =	shalt  }
0x80: {  	_ =	shalt  }
0x81: {  	_ =	shalt  }
0x82: {  	_ =	shalt  }
0x83: {  	_ =	shalt  }
0x84: {  	_ =	shalt  }
0x85: {  	_ =	shalt  }
0x86: {  	_ =	shalt  }
0x87: {  	_ =	shalt  }
.Lfunc_end0:
.L_simem_size_0:
called_computation.2_lowered:
.L_overlay_start_0:
0x88: {  	s2 =	sld [smem:$0x3FD9]  }
0x89: {  	s3 =	sld [smem:$0x3FFE];
	_ =	sdelay $0x1  }
0x8a: {  	s1 =	srdreg.scid  }
0x8b: {  	s0 =	sand.u32 $0x1, s1  }
0x8c: {  	s16 =	sshll.u32 s0, $0xA;
	s2 =	sadd.s32 s3, s2  }
0x8d: {  	s2 =	sadd.s32 s2, s16  }
0x8e: {  	[smem:$0x3FC1] =	sst s2  }
0x8f: {  	_ = 	snop  }
0x90: {  	(tm) =	ssettm $0x1  }
0x91: {  	s17 =	sld [smem:$0x3FFB];
	_ =	sdelay $0x3  }
0x92: {  	_ =	strace s17  }
0x93: {  	s2 =	sld [smem:$0x3FFC];
	_ =	sdelay $0x3  }
0x94: {  	_ =	strace s2  }
0x95: {  	s2 =	sld [smem:$0x3FFD];
	_ =	sdelay $0x3  }
0x96: {  	_ =	strace s2  }
0x97: {  	_ =	strace $0x8FFFFFFF  }
0x98: {  	s18 =	sld [smem:$0x3FDB];
	_ =	sdelay $0x1  }
0x99: {  	s19 =	simm.s32 $_scs_section_size  }
0x9a: {  	s4 =	simm.s32 $_size__tile_overlayer_lowered;
	s5 =	simm.s32 $_tile_overlayer_lowered  }
0x9b: {  	s22 =	simm.s32 $0x1BFF;
	s21 =	sshll.u32 s5, $0x1;
	s2 =	sadd.s32 s19, s18  }
0x9c: {  	s6 =	simm.s32 $0x0;
	s20 =	sshll.u32 s4, $0x1;
	s4 =	sadd.s32 s21, s2  }
0x9d: {  	[timem:s6], [sflag:s22] =	dma.local [hbm:s4], s20  }
0x9e: {  	_ =	swait.ge [sflag:s22], s20  }
0x9f: {  	s3 =	ssub.s32 $0x0, s20;
	[sflag:s22] =	ssyncset.done $0x0  }
0xa0: {  	[sflag:s22] =	ssyncadd.s32 s3;
	_ =	sdelay $0x1  }
0xa1: {  	s23 =	simm.s32 $0x1B8B  }
0xa2: {  	_ =	swait.ge [sflag:s23], $0x1  }
0xa3: {  	[sflag:s23] =	ssyncset.done $0x0  }
0xa4: {  	s25 =	simm.s32 $0x1B8E;
	s24 =	sld [smem:$0x3FFE];
	[sflag:s23] =	ssyncadd.s32 $0xFFFFFFFF  }
0xa5: {  	s26 =	simm.s32 $execute0_lowered;
	[smem:$0x3FD2] =	sst s25  }
0xa6: {  	s4 =	sshll.u32 s26, $0x1;
	_ =	strace $0x8000004C;
	[dreg:$0x1] =	wrdreg $0xFFFFFFFF  }
0xa7: {  	s28 =	simm.s32 $_size_execute0_lowered;
	s2 =	sadd.s32 s2, s4;
	[dreg:$0x0] =	wrdreg $0x0  }
0xa8: {  	s4 =	sshll.u32 s28, $0x1;
	[dreg:$0x2] =	wrdreg s2  }
0xa9: {  	[dreg:$0x3] =	wrdreg s4  }
0xaa: {  	[dreg:$0x4] =	wrdreg $0xC0  }
0xab: {  	_ =	task [dreg:s6], $0x5FFFF  }
0xac: {  	[dreg:$0x1] =	wrdreg $0xFFFFFFFF  }
0xad: {  	[dreg:$0x0] =	wrdreg $0x60  }
0xae: {  	[dreg:$0x2] =	wrdreg s24  }
0xaf: {  	[dreg:$0x3] =	wrdreg $0x9  }
0xb0: {  	_ =	task.clear_ibuf [dreg:s6], $0x4FFFF;
	_ =	strace $0x9000004C  }
0xb1: {  	s29 =	simm.s32 $0x9;
	_ =	strace $0x8000004E  }
0xb2: {  	_ =	swait.ge [sflag:s29], $0x1  }
0xb3: {  	[sflag:s29] =	ssyncadd.s32 $0xFFFFFFFF  }
0xb4: {  	_ =	strace $0x9000004E  }
0xb5: {  	_ =	sfence  }
0xb6: {  	s30 =	sld [smem:$0x0];
	_ =	sdelay $0x2  }
0xb7: {  	s31 =	sshll.u32 s1, $0xD;
	s1 =	sshrl.u32 s1, $0x2  }
0xb8: {  	s3 =	sand.u32 $0x4000, s31;
	s1 =	sadd.s32 s1, s30  }
0xb9: {  	s0 =	sor.u32 s3, s0;
	s1 =	sshll.u32 s1, $0x11  }
0xba: {  	s0 =	sor.u32 s1, s0  }
0xbb: {  	s0 =	sadd.s32 $0x8F2B, s0  }
0xbc: {  	[sflag:s0] =	ssyncadd.remote.s32 $0x1  }
0xbd: {  	_ =	sfence.sel $0xFFFF  }
0xbe: {  	[dreg:$0x0] =	wrdreg $0xFFFFFFFF;
	(pc) =	sbr.abs _section_cstart, $3  }
0xbf: {  	[dreg:$0x1] =	wrdreg $0xFFFFFFFF  }
0xc0: {  	_ =	task.clear_ibuf [dreg:s6], $0x2FFFF;
	_ =	strace $0x9FFFFFFF  }
0xc1: {  	(tm) =	ssettm $0x7FFFFFFF  }
tec
execute0_lowered:
.L_overlay_start_1:
0x0: {  	(tag) =	ssettag $0x1  }
0x1: {  	s8 =	rddreg [dreg:$0x0];
	s1 =	stileid.u32  }
0x2: {  	s2 =	srdreg.scid;
	s0 =	rddreg [dreg:$0x1]  }
0x3: {  	_ =	strace $0x8000004D;
	s5 =	simm.s32 $0x1;
	s9 =	simm.s32 $0x1  }
0x4: {  	s10 =	simm.s32 $0x3;
	s2 =	sand.u32 $0x1, s2;
	s3 =	sshll.u32 s1, $0x1  }
0x5: {  	s13 =	simm.s32 $0x0;
	s12 =	simm.s32 $0x0;
	s6 =	sor.u32 s3, s2  }
0x6: {  	[sflag:s5] =	ssyncpa.u1 $0x0;
	s2 =	sadd.s32 $0x2400, s8;
	s4 =	smul.u32 $0xA0, s6  }
0x7: {  	s3 =	sadd.s32 $0xC00, s8;
	p0 =	slt.u32 s6, $0x13;
	s6 =	simm.s32 $0x1400  }
.Ltmp0:
0x8: {  	s6 =	simm.s32 @!p0 $0x0;
	s7 =	ssub.s32 $0x1F40, s4;
	(pc) =	sbr.rel .LBB2_1-.Ltmp0, $4  }
0x9: {  	s9 =	simm.s32 @!p0 $0x0;
	p0 =	sne.s32 s7, s6;
	s7 =	simm.s32 $0x1  }
0xa: {  	s8 =	sadd.s32 $0x1400, s8;
	s6 =	simm.s32 $0x2;
	s7 =	simm.s32 @!p0 $0x0  }
0xb: {  	s11 =	smov.u32 s4;
	[sflag:s6] =	ssyncpa.u1 $0x0;
	s7 =	sadd.s32 s9, s7  }
0xc: {  	vm0 =	vmmov $0xffff;
	[sflag:s10] =	ssyncpa.u1 $0x0;
	s10 =	simm.s32 $0x0;
	s9 =	sadd.s32 $0x1, s7  }
.LBB2_4:
0xd: {  	vm2 =	veq.s32 v2, $0x80000000;
	v4 =	vand.u32 $0x3, v4;
	v5 =	vor.u32 v6, v5  }
0xe: {  	v1 =	vand.u32 $0x7FFF, v1;
	v7 =	vshrl.u32 v2, $0xF;
	v56 =	vand.u32 $0x7FFF, v2  }
0xf: {  	v4 =	vsel vm1, $0xFFFFFFFF, v4;
	v3 =	vor.u32 v3, v5;
	v1 =	vsel vm1, $0xFFFFFFFF, v1  }
0x10: {  	vm1 =	vmmov vm2;
	v7 =	vand.u32 $0x3, v7;
	v54 =	vshrl.u32 v4, $0x2  }
0x11: {  	v4 =	vshll.u32 v4, $0x7;
	v55 =	vshll.u32 v1, $0x2;
	v57 =	vsel vm1, $0xFFFFFFFF, v7  }
0x12: {  	v2 =	vsel vm1, $0xFFFFFFFF, v56;
	v1 =	vand.u32 $0x7F, v1;
	v5 =	vmul.u32 $0x13A00, v54  }
0x13: {  	v6 =	vand.u32 $0xFFFFFE00, v55;
	v4 =	vand.u32 $0x180, v4;
	v7 =	vshrl.u32 v57, $0x2  }
0x14: {  	v59 =	vshll.u32 v2, $0x2;
	v58 =	vmul.u32 $0x13A00, v7;
	v5 =	vadd.s32 v6, v5  }
0x15: {  	v7 =	vand.u32 $0xFFFFFE00, v59;
	v6 =	vshll.u32 v57, $0x7;
	v4 =	vor.u32 v4, v5  }
0x16: {  	v60 =	vadd.s32 v7, v58;
	v61 =	vand.u32 $0x180, v6;
	v1 =	vor.u32 v1, v4  }
0x17: {  	[tilespmem:s16], [sflag:$0x1] =	stream.indirect_vreg.gather [hbm4b:s2+s10], $0x1, v0, vm0, $0x4038;
	v62 =	vand.u32 $0x7F, v2;
	v63 =	vor.u32 v61, v60;
	[tilespmem:$0x280] =	vst v63  }
0x18: {  	(ifvalue) =	ssetifvalue $0x7FFFFFFF;
	v0 =	vor.u32 v62, v63  }
0x19: {  	[tilespmem:s15], [sflag:$0x1] =	stream.indirect_vreg.gather [hbm4b:s2+s10], $0x1, v3, vm0, $0x4038;
	[tilespmem:$0x280] =	vst v63  }
0x1a: {  	s29 =	sadd.s32 $0x10, s15;
	(ifvalue) =	ssetifvalue $0x7FFFFFFF  }
0x1b: {  	[tilespmem:s29], [sflag:$0x1] =	stream.indirect_vreg.gather [hbm4b:s2+s10], $0x1, v1, vm0, $0x4038;
	[tilespmem:$0x280] =	vst v63  }
0x1c: {  	s15 =	sadd.s32 $0x10, s29;
	(ifvalue) =	ssetifvalue $0x7FFFFFFF  }
0x1d: {  	[tilespmem:s15], [sflag:$0x1] =	stream.indirect_vreg.gather [hbm4b:s2+s10], $0x1, v0, vm0, $0x4038;
	[tilespmem:$0x280] =	vst v63  }
0x1e: {  	_ =	swait.ge [sflag:s5], $0xA0  }
0x1f: {  	s30 =	sshrl.u32 s13, $0x3;
	[sflag:s5] =	ssyncset.done $0x0  }
0x20: {  	s31 =	sand.u32 $0x7, s13;
	s15 =	sadd.s32 s8, s30;
	[sflag:s5] =	ssyncadd.s32 $0xFFFFFF60  }
0x21: {  	[hbm4b:s15+s31] =	stream.linear.scatter [tilespmem:s14], [sflag:$0x3], $0xA0, $0x38;
	[tilespmem:$0x280] =	vst v63  }
.LBB2_5:
0x22: {  	s15 =	sadd.s32 $0x1400, s11  }
0x23: {  	p1 =	sgt.s32 s15, $0x1F3F  }
0x24: {  	s15 =	smov.u32 @p1 s4;
	p1 =	sne.s32 s12, s9  }
.Ltmp1:
0x25: {  	p0 =	slt.u32 s12, $0x2;
	(pc) =	sbr.rel @!p1 .LBB2_6-.Ltmp1, $4  }
0x26: {  	s14 =	simm.s32 @!p0 $0x3  }
0x27: {  	_ =	swait.ge @!p0 [sflag:s14], $0xA0  }
0x28: {  	s16 =	sadd.s32 $0x1, s12;
	s13 =	smov.u32 s11;
	[sflag:s14] =	ssyncset.done @!p0 $0x0  }
0x29: {  	s12 =	smov.u32 s16;
	s11 =	smov.u32 s15;
	[sflag:s14] =	ssyncadd.s32 @!p0 $0xFFFFFF60  }
.LBB2_1:
0x2a: {  	p0 =	sge.u32 s12, s7  }
0x2b: {  	s14 =	sxor.u32 @!p0 $0x1, s12  }
0x2c: {  	s14 =	smul.u32 @!p0 $0x280, s14  }
0x2d: {  	s31 =	sadd.s32 $0xFFFFFFFF, s12;
	s15 =	sshrl.u32 @!p0 s11, $0x3  }
0x2e: {  	s16 =	sand.u32 @!p0 $0x7, s11;
	s15 =	sadd.s32 @!p0 s3, s15;
	s14 =	sshra.s32 @!p0 s14, $0x2  }
0x2f: {  	[tilespmem:s14], [sflag:$0x2] =	stream.linear.gather @!p0 [hbm4b:s15+s16], $0xA0, $0x38;
	[tilespmem:$0x280] =	vst v63  }
0x30: {  	p0 =	sge.u32 s31, s7  }
.Ltmp2:
0x31: {  	_ = 	snop;
	(pc) =	sbr.rel @p0 .LBB2_5-.Ltmp2, $1  }
0x32: {  	_ =	sdelay $0x3  }
0x33: {  	s14 =	sand.u32 $0x1, s12  }
0x34: {  	_ =	swait.ge [sflag:s6], $0xA0;
	p0 =	seq.s32 s14, $0x1;
	s14 =	simm.s32 $0xA0  }
0x35: {  	[sflag:s6] =	ssyncset.done $0x0;
	s14 =	simm.s32 @!p0 $0x0  }
0x36: {  	[sflag:s6] =	ssyncadd.s32 $0xFFFFFF60;
	(ifvalue) =	ssetifvalue $0x7FFFFFFF;
	v0 =	vld.msk [tilespmem:s14+$0x0 ss:$0x1], $0xffff;
	_ =	sdelay $0x2  }
0x37: {  	s15 =	sadd.s32 $0x10, s14  }
0x38: {  	v2 =	vld.msk [tilespmem:s15+$0x0 ss:$0x1], $0xffff  }
0x39: {  	vm1 =	veq.s32 v0, $0x80000000;
	v1 =	vshrl.u32 v0, $0xF  }
0x3a: {  	vm1 =	vmmov vm1;
	v3 =	vand.u32 $0x3, v1  }
0x3b: {  	v0 =	vand.u32 $0x7FFF, v0;
	v3 =	vsel vm1, $0xFFFFFFFF, v3  }
0x3c: {  	s15 =	sadd.s32 $0x10, s15;
	v0 =	vsel vm1, $0xFFFFFFFF, v0;
	v4 =	vshrl.u32 v3, $0x2  }
0x3d: {  	v1 =	vld.msk [tilespmem:s15+$0x0 ss:$0x1], $0xffff;
	v6 =	vshrl.u32 v2, $0xF;
	v5 =	vshll.u32 v0, $0x2;
	v4 =	vmul.u32 $0x13A00, v4  }
0x3e: {  	vm1 =	veq.s32 v2, $0x80000000;
	v3 =	vshll.u32 v3, $0x7;
	v5 =	vand.u32 $0xFFFFFE00, v5  }
0x3f: {  	v0 =	vand.u32 $0x7F, v0;
	v3 =	vand.u32 $0x180, v3;
	v4 =	vadd.s32 v5, v4  }
0x40: {  	vm1 =	vmmov vm1;
	v5 =	vand.u32 $0x3, v6;
	v3 =	vor.u32 v3, v4  }
0x41: {  	v2 =	vand.u32 $0x7FFF, v2;
	v4 =	vsel vm1, $0xFFFFFFFF, v5;
	v0 =	vor.u32 v0, v3  }
0x42: {  	s15 =	sadd.s32 $0x10, s15;
	vm2 =	veq.s32 v1, $0x80000000;
	v3 =	vsel vm1, $0xFFFFFFFF, v2;
	v2 =	vshrl.u32 v4, $0x2  }
0x43: {  	s14 =	sor.u32 $0x140, s14;
	v6 =	vshll.u32 v4, $0x7;
	v5 =	vmul.u32 $0x13A00, v2;
	v4 =	vshll.u32 v3, $0x2;
	v2 =	vld.msk [tilespmem:s15+$0x0 ss:$0x1], $0xffff  }
0x44: {  	s17 =	simm.s32 $0x30;
	s16 =	smov.u32 s14;
	vm1 =	vmmov vm2;
	v3 =	vand.u32 $0x7F, v3;
	v7 =	vand.u32 $0xFFFFFE00, v4  }
0x45: {  	s18 =	sadd.s32 $0x10, s15;
	v6 =	vand.u32 $0x180, v6;
	(ifvalue) =	ssetifvalue $0x7FFFFFFF;
	s15 =	sadd.s32 $0x10, s14;
	v4 =	vshrl.u32 v1, $0xF;
	v5 =	vadd.s32 v7, v5  }
.LBB2_3:
0x46: {  	[tilespmem:s16], [sflag:$0x1] =	stream.indirect_vreg.gather [hbm4b:s2+s10], $0x1, v0, vm0, $0x4038;
	[tilespmem:$0x280] =	vst v63  }
0x47: {  	s17 =	sadd.s32 $0x10, s17  }
0x48: {  	vm2 =	veq.s32 v2, $0x80000000;
	v4 =	vand.u32 $0x3, v4;
	v5 =	vor.u32 v6, v5;
	v6 =	vmovc v2;
	v2 =	vld.msk [tilespmem:s18+$0x0 ss:$0x1], $0xffff;
	p0 =	slt.u32 s17, $0x90  }
.Ltmp3:
0x49: {  	v7 =	vand.u32 $0x7FFF, v1;
	s16 =	smov.u32 s15;
	v4 =	vsel vm1, $0xFFFFFFFF, v4;
	v0 =	vor.u32 v3, v5;
	v1 =	vmovc v6;
	(pc) =	sbr.rel @p0 .LBB2_3-.Ltmp3, $4  }
0x4a: {  	v5 =	vsel vm1, $0xFFFFFFFF, v7;
	v6 =	vshrl.u32 v4, $0x2;
	v7 =	vshll.u32 v4, $0x7  }
0x4b: {  	v3 =	vand.u32 $0x7F, v5;
	v4 =	vshll.u32 v5, $0x2;
	v6 =	vmul.u32 $0x13A00, v6  }
0x4c: {  	vm1 =	vmmov vm2;
	v5 =	vand.u32 $0xFFFFFE00, v4  }
0x4d: {  	s18 =	sadd.s32 $0x10, s18;
	s15 =	sadd.s32 $0x10, s15;
	v4 =	vshrl.u32 v1, $0xF;
	v5 =	vadd.s32 v5, v6;
	v6 =	vand.u32 $0x180, v7;
	(ifvalue) =	ssetifvalue $0x7FFFFFFF  }
.Ltmp4:
0x4e: {  	_ = 	snop;
	(pc) =	sbr.rel .LBB2_4-.Ltmp4, $1  }
0x4f: {  	_ =	sdelay $0x3  }
.LBB2_6:
0x50: {  	_ =	sfence.sel $0x180000  }
0x51: {  	s2 =	simm.s32 $0x2;
	[bflag:$0x0] =	sbarrier.arrive $0xFFFF  }
0x52: {  	s30 =	simm.s32 $0x3;
	[sflag:s2] =	ssyncpa.u1 $0x1  }
0x53: {  	s31 =	simm.s32 $0x1;
	[sflag:s30] =	ssyncpa.u1 $0x1  }
0x54: {  	[sflag:s31] =	ssyncpa.u1 $0x1  }
0x55: {  	p0 =	sne.s32 s1, $0x0;
	_ =	strace $0x9000004D  }
0x56: {  	s0 =	sadd.s32 @!p0 $0x100000, s0;
	[bflag:$0x2] =	sbarrier.arrive $0xFFFF  }
0x57: {  	[sflag:s0] =	ssyncadd.tile.s32 @!p0 $0x1;
	_ =	shalt  }
.Lfunc_end2:
_tile_overlayer_lowered:
.L_overlay_start_2:
0x58: {  	(tag) =	ssettag $0x2  }
0x59: {  	s0 =	rddreg [dreg:$0x0];
	s2 =	stileid.u32  }
0x5a: {  	s1 =	rddreg [dreg:$0x1];
	p0 =	sne.s32 s2, $0x0  }
0x5b: {  	s3 =	rddreg [dreg:$0x2];
	[bflag:$0x3] =	sbarrier.arrive $0xFFFF;
	s2 =	simm.s32 @!p0 $0x1C01  }
0x5c: {  	[timem:s3], [sflag:s2] =	dma.local @!p0 [hbm:s0], s1  }
0x5d: {  	s0 =	simm.s32 @!p0 $0x1  }
0x5e: {  	_ =	swait.ge @!p0 [sflag:s0], s1  }
0x5f: {  	s1 =	ssub.s32 @!p0 $0x0, s1;
	[sflag:s0] =	ssyncset.done @!p0 $0x0  }
0x60: {  	[sflag:s0] =	ssyncadd.s32 @!p0 s1  }
0x61: {  	[bflag:$0x3] =	sbarrier.arrive $0xFFFF  }
0x62: {  	_ =	shalt  }

// kernel: gather_offload_async_start.3
scs
__scs_entry_jumppad:
0x0: {  	(pc) =	sbr.rel $0x88, $3  }
0x1: {  	(tag) =	ssettag $0x0;
	lr =	simm.s32 $0x1  }
0x2: {  	[smem:$0x3F9A] =	sst lr;
	_ =	strace $0xD0000000  }
0x3: {  	_ = 	snop  }
0x4: {  	_ = 	snop  }
0x5: {  	_ = 	snop  }
0x6: {  	_ = 	snop  }
0x7: {  	_ = 	snop  }
__scs_overlays_trampoline_lowered:
0x8: {  	[smem:$0x3FA9] =	sst s0  }
0x9: {  	[smem:$0x3FAA] =	sst s1  }
0xa: {  	[smem:$0x3FAB] =	sst s2  }
0xb: {  	[smem:$0x3FAC] =	sst s3  }
0xc: {  	[smem:$0x3FAD] =	sst s4  }
0xd: {  	[smem:$0x3FAE] =	sst s5  }
0xe: {  	[smem:$0x3FAF] =	sst s6  }
0xf: {  	[smem:$0x3FB0] =	sst s7  }
0x10: {  	[smem:$0x3FB1] =	sst s8  }
0x11: {  	[smem:$0x3FB2] =	sst s9;
	s0 =	simm.s32 @!p0 $0x0  }
0x12: {  	s1 =	sld [smem:$0x3F98];
	s0 =	simm.s32 @p0 $0x1  }
0x13: {  	[smem:$0x3FB3] =	sst s0;
	s0 =	simm.s32 @!p1 $0x0  }
0x14: {  	s2 =	sld [smem:$0x3F97];
	s0 =	simm.s32 @p1 $0x1  }
0x15: {  	[smem:$0x3FB4] =	sst s0;
	s0 =	simm.s32 @!p2 $0x0  }
0x16: {  	s3 =	sld [smem:$0x3FDB];
	s0 =	simm.s32 @p2 $0x1  }
0x17: {  	s4 =	simm.s32 $0x1BF5;
	[smem:$0x3FB6] =	sst s0  }
0x18: {  	s0 =	sld [smem:$0x3F99];
	_ =	swait.ge [sflag:s4], $0x0  }
0x19: {  	s7 =	sld [smem:$0x3F9A]  }
0x1a: {  	s8 =	sadd.s32 $0xFFFFE003, lr  }
0x1b: {  	s9 =	sadd.s32 $0xFFFFFEF7, lr;
	s5 =	simm.s32 $0xFFFFFFFF;
	p2 =	slt.u32 s8, $0xFFFFF086  }
0x1c: {  	p1 =	slt.u32 s9, $0xF7A;
	s5 =	simm.s32 @!p2 $0x0  }
0x1d: {  	s5 =	simm.s32 @p1 $0x1;
	p0 =	seq.s32 s7, s2  }
0x1e: {  	s7 =	smul.u32 @!p0 $0xF7A, s2;
	p2 =	seq.s32 @!p0 s5, $0x0  }
0x1f: {  	s9 =	smul.u32 $0xF7A, s1;
	s8 =	simm.s32 @!p0 $0x1BF5;
	p2 =	por !p2, p0  }
0x20: {  	[sflag:s8] =	ssyncset.s32 @!p0 $0xFFFFF086;
	s6 =	sadd.s32 @!p0 s3, s7;
	s7 =	simm.s32 @!p0 $0x108  }
0x21: {  	s3 =	sadd.s32 s3, s9;
	s6 =	sadd.s32 @!p0 $0x88, s6;
	s7 =	simm.s32 @p2 $0x1082  }
0x22: {  	[simem:s7], [sflag:s8] =	dma.local @!p0 [hbm:s6], $0xF7A  }
0x23: {  	s9 =	sor.u32 $0xD0000000, s2;
	s6 =	simm.s32 $0x108;
	_ =	swait.ge @!p0 [sflag:s8], $0x0  }
0x24: {  	s3 =	sadd.s32 $0x88, s3;
	s6 =	simm.s32 @!p1 $0x1082;
	[sflag:s4] =	ssyncset.s32 $0xFFFFF086  }
0x25: {  	[simem:s6], [sflag:s4] =	dma.local [hbm:s3], $0xF7A  }
0x26: {  	[smem:$0x3F9A] =	sst s1;
	(tag) =	ssettag s2;
	_ =	strace s9  }
0x27: {  	s1 =	sld [smem:$0x3FAA]  }
0x28: {  	s2 =	sld [smem:$0x3FAB]  }
0x29: {  	s4 =	sld [smem:$0x3FAD]  }
0x2a: {  	p0 =	seq.s32 s5, $0x0;
	s5 =	sld [smem:$0x3FAE]  }
0x2b: {  	s6 =	sld [smem:$0x3FAF]  }
0x2c: {  	s7 =	sld [smem:$0x3FB0]  }
0x2d: {  	s3 =	simm.s32 $0x108;
	s8 =	sld [smem:$0x3FB1]  }
0x2e: {  	s3 =	simm.s32 @!p0 $0x1082;
	s9 =	sld [smem:$0x3FB2]  }
0x2f: {  	lr =	sadd.s32 s0, s3;
	s0 =	sld [smem:$0x3FA9]  }
0x30: {  	s3 =	sld [smem:$0x3FAC]  }
0x31: {  	[smem:$0x3FB5] =	sst s10  }
0x32: {  	s10 =	sld [smem:$0x3FB3];
	_ =	sdelay $0x3  }
0x33: {  	p0 =	seq.s32 s10, $0x1;
	s10 =	sld [smem:$0x3FB5];
	_ =	sdelay $0x3  }
0x34: {  	[smem:$0x3FB5] =	sst s10  }
0x35: {  	s10 =	sld [smem:$0x3FB4];
	_ =	sdelay $0x3  }
0x36: {  	p1 =	seq.s32 s10, $0x1;
	s10 =	sld [smem:$0x3FB5];
	_ =	sdelay $0x3  }
0x37: {  	[smem:$0x3FB5] =	sst s10  }
0x38: {  	s10 =	sld [smem:$0x3FB6]  }
0x39: {  	_ = 	snop;
	(pc) =	sbr.ind lr, $3  }
0x3a: {  	_ = 	snop  }
0x3b: {  	_ = 	snop  }
0x3c: {  	p2 =	seq.s32 s10, $0x1;
	s10 =	sld [smem:$0x3FB5]  }
0x3d: {  	_ =	shalt  }
0x3e: {  	_ =	shalt  }
0x3f: {  	_ =	shalt  }
0x40: {  	_ =	shalt  }
0x41: {  	_ =	shalt  }
0x42: {  	_ =	shalt  }
0x43: {  	_ =	shalt  }
0x44: {  	_ =	shalt  }
0x45: {  	_ =	shalt  }
0x46: {  	_ =	shalt  }
0x47: {  	_ =	shalt  }
0x48: {  	_ =	shalt  }
0x49: {  	_ =	shalt  }
0x4a: {  	_ =	shalt  }
0x4b: {  	_ =	shalt  }
0x4c: {  	_ =	shalt  }
0x4d: {  	_ =	shalt  }
0x4e: {  	_ =	shalt  }
0x4f: {  	_ =	shalt  }
0x50: {  	_ =	shalt  }
0x51: {  	_ =	shalt  }
0x52: {  	_ =	shalt  }
0x53: {  	_ =	shalt  }
0x54: {  	_ =	shalt  }
0x55: {  	_ =	shalt  }
0x56: {  	_ =	shalt  }
0x57: {  	_ =	shalt  }
0x58: {  	_ =	shalt  }
0x59: {  	_ =	shalt  }
0x5a: {  	_ =	shalt  }
0x5b: {  	_ =	shalt  }
0x5c: {  	_ =	shalt  }
0x5d: {  	_ =	shalt  }
0x5e: {  	_ =	shalt  }
0x5f: {  	_ =	shalt  }
0x60: {  	_ =	shalt  }
0x61: {  	_ =	shalt  }
0x62: {  	_ =	shalt  }
0x63: {  	_ =	shalt  }
0x64: {  	_ =	shalt  }
0x65: {  	_ =	shalt  }
0x66: {  	_ =	shalt  }
0x67: {  	_ =	shalt  }
0x68: {  	_ =	shalt  }
0x69: {  	_ =	shalt  }
0x6a: {  	_ =	shalt  }
0x6b: {  	_ =	shalt  }
0x6c: {  	_ =	shalt  }
0x6d: {  	_ =	shalt  }
0x6e: {  	_ =	shalt  }
0x6f: {  	_ =	shalt  }
0x70: {  	_ =	shalt  }
0x71: {  	_ =	shalt  }
0x72: {  	_ =	shalt  }
0x73: {  	_ =	shalt  }
0x74: {  	_ =	shalt  }
0x75: {  	_ =	shalt  }
0x76: {  	_ =	shalt  }
0x77: {  	_ =	shalt  }
0x78: {  	_ =	shalt  }
0x79: {  	_ =	shalt  }
0x7a: {  	_ =	shalt  }
0x7b: {  	_ =	shalt  }
0x7c: {  	_ =	shalt  }
0x7d: {  	_ =	shalt  }
0x7e: {  	_ =	shalt  }
0x7f: {  	_ =	shalt  }
0x80: {  	_ =	shalt  }
0x81: {  	_ =	shalt  }
0x82: {  	_ =	shalt  }
0x83: {  	_ =	shalt  }
0x84: {  	_ =	shalt  }
0x85: {  	_ =	shalt  }
0x86: {  	_ =	shalt  }
0x87: {  	_ =	shalt  }
.Lfunc_end0:
.L_simem_size_0:
called_computation.3_lowered:
.L_overlay_start_0:
0x88: {  	s2 =	sld [smem:$0x3FD9]  }
0x89: {  	s3 =	sld [smem:$0x3FFE];
	_ =	sdelay $0x1  }
0x8a: {  	s1 =	srdreg.scid  }
0x8b: {  	s0 =	sand.u32 $0x1, s1  }
0x8c: {  	s16 =	sshll.u32 s0, $0xA;
	s2 =	sadd.s32 s3, s2  }
0x8d: {  	s2 =	sadd.s32 s2, s16  }
0x8e: {  	[smem:$0x3FC1] =	sst s2  }
0x8f: {  	_ = 	snop  }
0x90: {  	(tm) =	ssettm $0x1  }
0x91: {  	s17 =	sld [smem:$0x3FFB];
	_ =	sdelay $0x3  }
0x92: {  	_ =	strace s17  }
0x93: {  	s2 =	sld [smem:$0x3FFC];
	_ =	sdelay $0x3  }
0x94: {  	_ =	strace s2  }
0x95: {  	s2 =	sld [smem:$0x3FFD];
	_ =	sdelay $0x3  }
0x96: {  	_ =	strace s2  }
0x97: {  	_ =	strace $0x8FFFFFFF  }
0x98: {  	s18 =	sld [smem:$0x3FDB];
	_ =	sdelay $0x1  }
0x99: {  	s19 =	simm.s32 $_scs_section_size  }
0x9a: {  	s4 =	simm.s32 $_size__tile_overlayer_lowered;
	s5 =	simm.s32 $_tile_overlayer_lowered  }
0x9b: {  	s22 =	simm.s32 $0x1BFF;
	s21 =	sshll.u32 s5, $0x1;
	s2 =	sadd.s32 s19, s18  }
0x9c: {  	s6 =	simm.s32 $0x0;
	s20 =	sshll.u32 s4, $0x1;
	s4 =	sadd.s32 s21, s2  }
0x9d: {  	[timem:s6], [sflag:s22] =	dma.local [hbm:s4], s20  }
0x9e: {  	_ =	swait.ge [sflag:s22], s20  }
0x9f: {  	s3 =	ssub.s32 $0x0, s20;
	[sflag:s22] =	ssyncset.done $0x0  }
0xa0: {  	[sflag:s22] =	ssyncadd.s32 s3;
	_ =	sdelay $0x1  }
0xa1: {  	s23 =	simm.s32 $0x1B8B  }
0xa2: {  	_ =	swait.ge [sflag:s23], $0x1  }
0xa3: {  	[sflag:s23] =	ssyncset.done $0x0  }
0xa4: {  	s25 =	simm.s32 $0x1B8E;
	s24 =	sld [smem:$0x3FFE];
	[sflag:s23] =	ssyncadd.s32 $0xFFFFFFFF  }
0xa5: {  	s26 =	simm.s32 $execute0_lowered;
	[smem:$0x3FD2] =	sst s25  }
0xa6: {  	s4 =	sshll.u32 s26, $0x1;
	_ =	strace $0x80000046;
	[dreg:$0x1] =	wrdreg $0xFFFFFFFF  }
0xa7: {  	s28 =	simm.s32 $_size_execute0_lowered;
	s2 =	sadd.s32 s2, s4;
	[dreg:$0x0] =	wrdreg $0x0  }
0xa8: {  	s4 =	sshll.u32 s28, $0x1;
	[dreg:$0x2] =	wrdreg s2  }
0xa9: {  	[dreg:$0x3] =	wrdreg s4  }
0xaa: {  	[dreg:$0x4] =	wrdreg $0xC0  }
0xab: {  	_ =	task [dreg:s6], $0x5FFFF  }
0xac: {  	[dreg:$0x1] =	wrdreg $0xFFFFFFFF  }
0xad: {  	[dreg:$0x0] =	wrdreg $0x60  }
0xae: {  	[dreg:$0x2] =	wrdreg s24  }
0xaf: {  	[dreg:$0x3] =	wrdreg $0x9  }
0xb0: {  	_ =	task.clear_ibuf [dreg:s6], $0x4FFFF;
	_ =	strace $0x90000046  }
0xb1: {  	s29 =	simm.s32 $0x9;
	_ =	strace $0x80000048  }
0xb2: {  	_ =	swait.ge [sflag:s29], $0x1  }
0xb3: {  	[sflag:s29] =	ssyncadd.s32 $0xFFFFFFFF  }
0xb4: {  	_ =	strace $0x90000048  }
0xb5: {  	_ =	sfence  }
0xb6: {  	s30 =	sld [smem:$0x0];
	_ =	sdelay $0x2  }
0xb7: {  	s31 =	sshll.u32 s1, $0xD;
	s1 =	sshrl.u32 s1, $0x2  }
0xb8: {  	s3 =	sand.u32 $0x4000, s31;
	s1 =	sadd.s32 s1, s30  }
0xb9: {  	s0 =	sor.u32 s3, s0;
	s1 =	sshll.u32 s1, $0x11  }
0xba: {  	s0 =	sor.u32 s1, s0  }
0xbb: {  	s0 =	sadd.s32 $0x8F2B, s0  }
0xbc: {  	[sflag:s0] =	ssyncadd.remote.s32 $0x1  }
0xbd: {  	_ =	sfence.sel $0xFFFF  }
0xbe: {  	[dreg:$0x0] =	wrdreg $0xFFFFFFFF;
	(pc) =	sbr.abs _section_cstart, $3  }
0xbf: {  	[dreg:$0x1] =	wrdreg $0xFFFFFFFF  }
0xc0: {  	_ =	task.clear_ibuf [dreg:s6], $0x2FFFF;
	_ =	strace $0x9FFFFFFF  }
0xc1: {  	(tm) =	ssettm $0x7FFFFFFF  }
tec
execute0_lowered:
.L_overlay_start_1:
0x0: {  	(tag) =	ssettag $0x1  }
0x1: {  	s8 =	rddreg [dreg:$0x0];
	s1 =	stileid.u32  }
0x2: {  	s2 =	srdreg.scid;
	s0 =	rddreg [dreg:$0x1]  }
0x3: {  	_ =	strace $0x80000047;
	s5 =	simm.s32 $0x1;
	s9 =	simm.s32 $0x1  }
0x4: {  	s10 =	simm.s32 $0x3;
	s2 =	sand.u32 $0x1, s2;
	s3 =	sshll.u32 s1, $0x1  }
0x5: {  	s13 =	simm.s32 $0x0;
	s12 =	simm.s32 $0x0;
	s6 =	sor.u32 s3, s2  }
0x6: {  	[sflag:s5] =	ssyncpa.u1 $0x0;
	s2 =	sadd.s32 $0x2400, s8;
	s4 =	smul.u32 $0xA0, s6  }
0x7: {  	s3 =	sadd.s32 $0x1000, s8;
	p0 =	slt.u32 s6, $0x13;
	s6 =	simm.s32 $0x1400  }
.Ltmp0:
0x8: {  	s6 =	simm.s32 @!p0 $0x0;
	s7 =	ssub.s32 $0x1F40, s4;
	(pc) =	sbr.rel .LBB2_1-.Ltmp0, $4  }
0x9: {  	s9 =	simm.s32 @!p0 $0x0;
	p0 =	sne.s32 s7, s6;
	s7 =	simm.s32 $0x1  }
0xa: {  	s8 =	sadd.s32 $0x4C00, s8;
	s6 =	simm.s32 $0x2;
	s7 =	simm.s32 @!p0 $0x0  }
0xb: {  	s11 =	smov.u32 s4;
	[sflag:s6] =	ssyncpa.u1 $0x0;
	s7 =	sadd.s32 s9, s7  }
0xc: {  	vm0 =	vmmov $0xffff;
	[sflag:s10] =	ssyncpa.u1 $0x0;
	s10 =	simm.s32 $0x0;
	s9 =	sadd.s32 $0x1, s7  }
.LBB2_4:
0xd: {  	vm2 =	veq.s32 v2, $0x80000000;
	v4 =	vand.u32 $0x3, v4;
	v5 =	vor.u32 v6, v5  }
0xe: {  	v1 =	vand.u32 $0x7FFF, v1;
	v7 =	vshrl.u32 v2, $0xF;
	v56 =	vand.u32 $0x7FFF, v2  }
0xf: {  	v4 =	vsel vm1, $0xFFFFFFFF, v4;
	v3 =	vor.u32 v3, v5;
	v1 =	vsel vm1, $0xFFFFFFFF, v1  }
0x10: {  	vm1 =	vmmov vm2;
	v7 =	vand.u32 $0x3, v7;
	v54 =	vshrl.u32 v4, $0x2  }
0x11: {  	v4 =	vshll.u32 v4, $0x7;
	v55 =	vshll.u32 v1, $0x2;
	v57 =	vsel vm1, $0xFFFFFFFF, v7  }
0x12: {  	v2 =	vsel vm1, $0xFFFFFFFF, v56;
	v1 =	vand.u32 $0x7F, v1;
	v5 =	vmul.u32 $0x13A00, v54  }
0x13: {  	v6 =	vand.u32 $0xFFFFFE00, v55;
	v4 =	vand.u32 $0x180, v4;
	v7 =	vshrl.u32 v57, $0x2  }
0x14: {  	v59 =	vshll.u32 v2, $0x2;
	v58 =	vmul.u32 $0x13A00, v7;
	v5 =	vadd.s32 v6, v5  }
0x15: {  	v7 =	vand.u32 $0xFFFFFE00, v59;
	v6 =	vshll.u32 v57, $0x7;
	v4 =	vor.u32 v4, v5  }
0x16: {  	v60 =	vadd.s32 v7, v58;
	v61 =	vand.u32 $0x180, v6;
	v1 =	vor.u32 v1, v4  }
0x17: {  	[tilespmem:s16], [sflag:$0x1] =	stream.indirect_vreg.gather [hbm4b:s2+s10], $0x1, v0, vm0, $0x4038;
	v62 =	vand.u32 $0x7F, v2;
	v63 =	vor.u32 v61, v60;
	[tilespmem:$0x280] =	vst v63  }
0x18: {  	(ifvalue) =	ssetifvalue $0x7FFFFFFF;
	v0 =	vor.u32 v62, v63  }
0x19: {  	[tilespmem:s15], [sflag:$0x1] =	stream.indirect_vreg.gather [hbm4b:s2+s10], $0x1, v3, vm0, $0x4038;
	[tilespmem:$0x280] =	vst v63  }
0x1a: {  	s29 =	sadd.s32 $0x10, s15;
	(ifvalue) =	ssetifvalue $0x7FFFFFFF  }
0x1b: {  	[tilespmem:s29], [sflag:$0x1] =	stream.indirect_vreg.gather [hbm4b:s2+s10], $0x1, v1, vm0, $0x4038;
	[tilespmem:$0x280] =	vst v63  }
0x1c: {  	s15 =	sadd.s32 $0x10, s29;
	(ifvalue) =	ssetifvalue $0x7FFFFFFF  }
0x1d: {  	[tilespmem:s15], [sflag:$0x1] =	stream.indirect_vreg.gather [hbm4b:s2+s10], $0x1, v0, vm0, $0x4038;
	[tilespmem:$0x280] =	vst v63  }
0x1e: {  	_ =	swait.ge [sflag:s5], $0xA0  }
0x1f: {  	s30 =	sshrl.u32 s13, $0x3;
	[sflag:s5] =	ssyncset.done $0x0  }
0x20: {  	s31 =	sand.u32 $0x7, s13;
	s15 =	sadd.s32 s8, s30;
	[sflag:s5] =	ssyncadd.s32 $0xFFFFFF60  }
0x21: {  	[hbm4b:s15+s31] =	stream.linear.scatter [tilespmem:s14], [sflag:$0x3], $0xA0, $0x38;
	[tilespmem:$0x280] =	vst v63  }
.LBB2_5:
0x22: {  	s15 =	sadd.s32 $0x1400, s11  }
0x23: {  	p1 =	sgt.s32 s15, $0x1F3F  }
0x24: {  	s15 =	smov.u32 @p1 s4;
	p1 =	sne.s32 s12, s9  }
.Ltmp1:
0x25: {  	p0 =	slt.u32 s12, $0x2;
	(pc) =	sbr.rel @!p1 .LBB2_6-.Ltmp1, $4  }
0x26: {  	s14 =	simm.s32 @!p0 $0x3  }
0x27: {  	_ =	swait.ge @!p0 [sflag:s14], $0xA0  }
0x28: {  	s16 =	sadd.s32 $0x1, s12;
	s13 =	smov.u32 s11;
	[sflag:s14] =	ssyncset.done @!p0 $0x0  }
0x29: {  	s12 =	smov.u32 s16;
	s11 =	smov.u32 s15;
	[sflag:s14] =	ssyncadd.s32 @!p0 $0xFFFFFF60  }
.LBB2_1:
0x2a: {  	p0 =	sge.u32 s12, s7  }
0x2b: {  	s14 =	sxor.u32 @!p0 $0x1, s12  }
0x2c: {  	s14 =	smul.u32 @!p0 $0x280, s14  }
0x2d: {  	s31 =	sadd.s32 $0xFFFFFFFF, s12;
	s15 =	sshrl.u32 @!p0 s11, $0x3  }
0x2e: {  	s16 =	sand.u32 @!p0 $0x7, s11;
	s15 =	sadd.s32 @!p0 s3, s15;
	s14 =	sshra.s32 @!p0 s14, $0x2  }
0x2f: {  	[tilespmem:s14], [sflag:$0x2] =	stream.linear.gather @!p0 [hbm4b:s15+s16], $0xA0, $0x38;
	[tilespmem:$0x280] =	vst v63  }
0x30: {  	p0 =	sge.u32 s31, s7  }
.Ltmp2:
0x31: {  	_ = 	snop;
	(pc) =	sbr.rel @p0 .LBB2_5-.Ltmp2, $1  }
0x32: {  	_ =	sdelay $0x3  }
0x33: {  	s14 =	sand.u32 $0x1, s12  }
0x34: {  	_ =	swait.ge [sflag:s6], $0xA0;
	p0 =	seq.s32 s14, $0x1;
	s14 =	simm.s32 $0xA0  }
0x35: {  	[sflag:s6] =	ssyncset.done $0x0;
	s14 =	simm.s32 @!p0 $0x0  }
0x36: {  	[sflag:s6] =	ssyncadd.s32 $0xFFFFFF60;
	(ifvalue) =	ssetifvalue $0x7FFFFFFF;
	v0 =	vld.msk [tilespmem:s14+$0x0 ss:$0x1], $0xffff;
	_ =	sdelay $0x2  }
0x37: {  	s15 =	sadd.s32 $0x10, s14  }
0x38: {  	v2 =	vld.msk [tilespmem:s15+$0x0 ss:$0x1], $0xffff  }
0x39: {  	vm1 =	veq.s32 v0, $0x80000000;
	v1 =	vshrl.u32 v0, $0xF  }
0x3a: {  	vm1 =	vmmov vm1;
	v3 =	vand.u32 $0x3, v1  }
0x3b: {  	v0 =	vand.u32 $0x7FFF, v0;
	v3 =	vsel vm1, $0xFFFFFFFF, v3  }
0x3c: {  	s15 =	sadd.s32 $0x10, s15;
	v0 =	vsel vm1, $0xFFFFFFFF, v0;
	v4 =	vshrl.u32 v3, $0x2  }
0x3d: {  	v1 =	vld.msk [tilespmem:s15+$0x0 ss:$0x1], $0xffff;
	v6 =	vshrl.u32 v2, $0xF;
	v5 =	vshll.u32 v0, $0x2;
	v4 =	vmul.u32 $0x13A00, v4  }
0x3e: {  	vm1 =	veq.s32 v2, $0x80000000;
	v3 =	vshll.u32 v3, $0x7;
	v5 =	vand.u32 $0xFFFFFE00, v5  }
0x3f: {  	v0 =	vand.u32 $0x7F, v0;
	v3 =	vand.u32 $0x180, v3;
	v4 =	vadd.s32 v5, v4  }
0x40: {  	vm1 =	vmmov vm1;
	v5 =	vand.u32 $0x3, v6;
	v3 =	vor.u32 v3, v4  }
0x41: {  	v2 =	vand.u32 $0x7FFF, v2;
	v4 =	vsel vm1, $0xFFFFFFFF, v5;
	v0 =	vor.u32 v0, v3  }
0x42: {  	s15 =	sadd.s32 $0x10, s15;
	vm2 =	veq.s32 v1, $0x80000000;
	v3 =	vsel vm1, $0xFFFFFFFF, v2;
	v2 =	vshrl.u32 v4, $0x2  }
0x43: {  	s14 =	sor.u32 $0x140, s14;
	v6 =	vshll.u32 v4, $0x7;
	v5 =	vmul.u32 $0x13A00, v2;
	v4 =	vshll.u32 v3, $0x2;
	v2 =	vld.msk [tilespmem:s15+$0x0 ss:$0x1], $0xffff  }
0x44: {  	s17 =	simm.s32 $0x30;
	s16 =	smov.u32 s14;
	vm1 =	vmmov vm2;
	v3 =	vand.u32 $0x7F, v3;
	v7 =	vand.u32 $0xFFFFFE00, v4  }
0x45: {  	s18 =	sadd.s32 $0x10, s15;
	v6 =	vand.u32 $0x180, v6;
	(ifvalue) =	ssetifvalue $0x7FFFFFFF;
	s15 =	sadd.s32 $0x10, s14;
	v4 =	vshrl.u32 v1, $0xF;
	v5 =	vadd.s32 v7, v5  }
.LBB2_3:
0x46: {  	[tilespmem:s16], [sflag:$0x1] =	stream.indirect_vreg.gather [hbm4b:s2+s10], $0x1, v0, vm0, $0x4038;
	[tilespmem:$0x280] =	vst v63  }
0x47: {  	s17 =	sadd.s32 $0x10, s17  }
0x48: {  	vm2 =	veq.s32 v2, $0x80000000;
	v4 =	vand.u32 $0x3, v4;
	v5 =	vor.u32 v6, v5;
	v6 =	vmovc v2;
	v2 =	vld.msk [tilespmem:s18+$0x0 ss:$0x1], $0xffff;
	p0 =	slt.u32 s17, $0x90  }
.Ltmp3:
0x49: {  	v7 =	vand.u32 $0x7FFF, v1;
	s16 =	smov.u32 s15;
	v4 =	vsel vm1, $0xFFFFFFFF, v4;
	v0 =	vor.u32 v3, v5;
	v1 =	vmovc v6;
	(pc) =	sbr.rel @p0 .LBB2_3-.Ltmp3, $4  }
0x4a: {  	v5 =	vsel vm1, $0xFFFFFFFF, v7;
	v6 =	vshrl.u32 v4, $0x2;
	v7 =	vshll.u32 v4, $0x7  }
0x4b: {  	v3 =	vand.u32 $0x7F, v5;
	v4 =	vshll.u32 v5, $0x2;
	v6 =	vmul.u32 $0x13A00, v6  }
0x4c: {  	vm1 =	vmmov vm2;
	v5 =	vand.u32 $0xFFFFFE00, v4  }
0x4d: {  	s18 =	sadd.s32 $0x10, s18;
	s15 =	sadd.s32 $0x10, s15;
	v4 =	vshrl.u32 v1, $0xF;
	v5 =	vadd.s32 v5, v6;
	v6 =	vand.u32 $0x180, v7;
	(ifvalue) =	ssetifvalue $0x7FFFFFFF  }
.Ltmp4:
0x4e: {  	_ = 	snop;
	(pc) =	sbr.rel .LBB2_4-.Ltmp4, $1  }
0x4f: {  	_ =	sdelay $0x3  }
.LBB2_6:
0x50: {  	_ =	sfence.sel $0x180000  }
0x51: {  	s2 =	simm.s32 $0x2;
	[bflag:$0x0] =	sbarrier.arrive $0xFFFF  }
0x52: {  	s30 =	simm.s32 $0x3;
	[sflag:s2] =	ssyncpa.u1 $0x1  }
0x53: {  	s31 =	simm.s32 $0x1;
	[sflag:s30] =	ssyncpa.u1 $0x1  }
0x54: {  	[sflag:s31] =	ssyncpa.u1 $0x1  }
0x55: {  	p0 =	sne.s32 s1, $0x0;
	_ =	strace $0x90000047  }
0x56: {  	s0 =	sadd.s32 @!p0 $0x100000, s0;
	[bflag:$0x2] =	sbarrier.arrive $0xFFFF  }
0x57: {  	[sflag:s0] =	ssyncadd.tile.s32 @!p0 $0x1;
	_ =	shalt  }
.Lfunc_end2:
_tile_overlayer_lowered:
.L_overlay_start_2:
0x58: {  	(tag) =	ssettag $0x2  }
0x59: {  	s0 =	rddreg [dreg:$0x0];
	s2 =	stileid.u32  }
0x5a: {  	s1 =	rddreg [dreg:$0x1];
	p0 =	sne.s32 s2, $0x0  }
0x5b: {  	s3 =	rddreg [dreg:$0x2];
	[bflag:$0x3] =	sbarrier.arrive $0xFFFF;
	s2 =	simm.s32 @!p0 $0x1C01  }
0x5c: {  	[timem:s3], [sflag:s2] =	dma.local @!p0 [hbm:s0], s1  }
0x5d: {  	s0 =	simm.s32 @!p0 $0x1  }
0x5e: {  	_ =	swait.ge @!p0 [sflag:s0], s1  }
0x5f: {  	s1 =	ssub.s32 @!p0 $0x0, s1;
	[sflag:s0] =	ssyncset.done @!p0 $0x0  }
0x60: {  	[sflag:s0] =	ssyncadd.s32 @!p0 s1  }
0x61: {  	[bflag:$0x3] =	sbarrier.arrive $0xFFFF  }
0x62: {  	_ =	shalt  }

// kernel: gather_offload_async_start.4
scs
__scs_entry_jumppad:
0x0: {  	(pc) =	sbr.rel $0x88, $3  }
0x1: {  	(tag) =	ssettag $0x0;
	lr =	simm.s32 $0x1  }
0x2: {  	[smem:$0x3F9A] =	sst lr;
	_ =	strace $0xD0000000  }
0x3: {  	_ = 	snop  }
0x4: {  	_ = 	snop  }
0x5: {  	_ = 	snop  }
0x6: {  	_ = 	snop  }
0x7: {  	_ = 	snop  }
__scs_overlays_trampoline_lowered:
0x8: {  	[smem:$0x3FA9] =	sst s0  }
0x9: {  	[smem:$0x3FAA] =	sst s1  }
0xa: {  	[smem:$0x3FAB] =	sst s2  }
0xb: {  	[smem:$0x3FAC] =	sst s3  }
0xc: {  	[smem:$0x3FAD] =	sst s4  }
0xd: {  	[smem:$0x3FAE] =	sst s5  }
0xe: {  	[smem:$0x3FAF] =	sst s6  }
0xf: {  	[smem:$0x3FB0] =	sst s7  }
0x10: {  	[smem:$0x3FB1] =	sst s8  }
0x11: {  	[smem:$0x3FB2] =	sst s9;
	s0 =	simm.s32 @!p0 $0x0  }
0x12: {  	s1 =	sld [smem:$0x3F98];
	s0 =	simm.s32 @p0 $0x1  }
0x13: {  	[smem:$0x3FB3] =	sst s0;
	s0 =	simm.s32 @!p1 $0x0  }
0x14: {  	s2 =	sld [smem:$0x3F97];
	s0 =	simm.s32 @p1 $0x1  }
0x15: {  	[smem:$0x3FB4] =	sst s0;
	s0 =	simm.s32 @!p2 $0x0  }
0x16: {  	s3 =	sld [smem:$0x3FDB];
	s0 =	simm.s32 @p2 $0x1  }
0x17: {  	s4 =	simm.s32 $0x1BF5;
	[smem:$0x3FB6] =	sst s0  }
0x18: {  	s0 =	sld [smem:$0x3F99];
	_ =	swait.ge [sflag:s4], $0x0  }
0x19: {  	s7 =	sld [smem:$0x3F9A]  }
0x1a: {  	s8 =	sadd.s32 $0xFFFFE003, lr  }
0x1b: {  	s9 =	sadd.s32 $0xFFFFFEF7, lr;
	s5 =	simm.s32 $0xFFFFFFFF;
	p2 =	slt.u32 s8, $0xFFFFF086  }
0x1c: {  	p1 =	slt.u32 s9, $0xF7A;
	s5 =	simm.s32 @!p2 $0x0  }
0x1d: {  	s5 =	simm.s32 @p1 $0x1;
	p0 =	seq.s32 s7, s2  }
0x1e: {  	s7 =	smul.u32 @!p0 $0xF7A, s2;
	p2 =	seq.s32 @!p0 s5, $0x0  }
0x1f: {  	s9 =	smul.u32 $0xF7A, s1;
	s8 =	simm.s32 @!p0 $0x1BF5;
	p2 =	por !p2, p0  }
0x20: {  	[sflag:s8] =	ssyncset.s32 @!p0 $0xFFFFF086;
	s6 =	sadd.s32 @!p0 s3, s7;
	s7 =	simm.s32 @!p0 $0x108  }
0x21: {  	s3 =	sadd.s32 s3, s9;
	s6 =	sadd.s32 @!p0 $0x88, s6;
	s7 =	simm.s32 @p2 $0x1082  }
0x22: {  	[simem:s7], [sflag:s8] =	dma.local @!p0 [hbm:s6], $0xF7A  }
0x23: {  	s9 =	sor.u32 $0xD0000000, s2;
	s6 =	simm.s32 $0x108;
	_ =	swait.ge @!p0 [sflag:s8], $0x0  }
0x24: {  	s3 =	sadd.s32 $0x88, s3;
	s6 =	simm.s32 @!p1 $0x1082;
	[sflag:s4] =	ssyncset.s32 $0xFFFFF086  }
0x25: {  	[simem:s6], [sflag:s4] =	dma.local [hbm:s3], $0xF7A  }
0x26: {  	[smem:$0x3F9A] =	sst s1;
	(tag) =	ssettag s2;
	_ =	strace s9  }
0x27: {  	s1 =	sld [smem:$0x3FAA]  }
0x28: {  	s2 =	sld [smem:$0x3FAB]  }
0x29: {  	s4 =	sld [smem:$0x3FAD]  }
0x2a: {  	p0 =	seq.s32 s5, $0x0;
	s5 =	sld [smem:$0x3FAE]  }
0x2b: {  	s6 =	sld [smem:$0x3FAF]  }
0x2c: {  	s7 =	sld [smem:$0x3FB0]  }
0x2d: {  	s3 =	simm.s32 $0x108;
	s8 =	sld [smem:$0x3FB1]  }
0x2e: {  	s3 =	simm.s32 @!p0 $0x1082;
	s9 =	sld [smem:$0x3FB2]  }
0x2f: {  	lr =	sadd.s32 s0, s3;
	s0 =	sld [smem:$0x3FA9]  }
0x30: {  	s3 =	sld [smem:$0x3FAC]  }
0x31: {  	[smem:$0x3FB5] =	sst s10  }
0x32: {  	s10 =	sld [smem:$0x3FB3];
	_ =	sdelay $0x3  }
0x33: {  	p0 =	seq.s32 s10, $0x1;
	s10 =	sld [smem:$0x3FB5];
	_ =	sdelay $0x3  }
0x34: {  	[smem:$0x3FB5] =	sst s10  }
0x35: {  	s10 =	sld [smem:$0x3FB4];
	_ =	sdelay $0x3  }
0x36: {  	p1 =	seq.s32 s10, $0x1;
	s10 =	sld [smem:$0x3FB5];
	_ =	sdelay $0x3  }
0x37: {  	[smem:$0x3FB5] =	sst s10  }
0x38: {  	s10 =	sld [smem:$0x3FB6]  }
0x39: {  	_ = 	snop;
	(pc) =	sbr.ind lr, $3  }
0x3a: {  	_ = 	snop  }
0x3b: {  	_ = 	snop  }
0x3c: {  	p2 =	seq.s32 s10, $0x1;
	s10 =	sld [smem:$0x3FB5]  }
0x3d: {  	_ =	shalt  }
0x3e: {  	_ =	shalt  }
0x3f: {  	_ =	shalt  }
0x40: {  	_ =	shalt  }
0x41: {  	_ =	shalt  }
0x42: {  	_ =	shalt  }
0x43: {  	_ =	shalt  }
0x44: {  	_ =	shalt  }
0x45: {  	_ =	shalt  }
0x46: {  	_ =	shalt  }
0x47: {  	_ =	shalt  }
0x48: {  	_ =	shalt  }
0x49: {  	_ =	shalt  }
0x4a: {  	_ =	shalt  }
0x4b: {  	_ =	shalt  }
0x4c: {  	_ =	shalt  }
0x4d: {  	_ =	shalt  }
0x4e: {  	_ =	shalt  }
0x4f: {  	_ =	shalt  }
0x50: {  	_ =	shalt  }
0x51: {  	_ =	shalt  }
0x52: {  	_ =	shalt  }
0x53: {  	_ =	shalt  }
0x54: {  	_ =	shalt  }
0x55: {  	_ =	shalt  }
0x56: {  	_ =	shalt  }
0x57: {  	_ =	shalt  }
0x58: {  	_ =	shalt  }
0x59: {  	_ =	shalt  }
0x5a: {  	_ =	shalt  }
0x5b: {  	_ =	shalt  }
0x5c: {  	_ =	shalt  }
0x5d: {  	_ =	shalt  }
0x5e: {  	_ =	shalt  }
0x5f: {  	_ =	shalt  }
0x60: {  	_ =	shalt  }
0x61: {  	_ =	shalt  }
0x62: {  	_ =	shalt  }
0x63: {  	_ =	shalt  }
0x64: {  	_ =	shalt  }
0x65: {  	_ =	shalt  }
0x66: {  	_ =	shalt  }
0x67: {  	_ =	shalt  }
0x68: {  	_ =	shalt  }
0x69: {  	_ =	shalt  }
0x6a: {  	_ =	shalt  }
0x6b: {  	_ =	shalt  }
0x6c: {  	_ =	shalt  }
0x6d: {  	_ =	shalt  }
0x6e: {  	_ =	shalt  }
0x6f: {  	_ =	shalt  }
0x70: {  	_ =	shalt  }
0x71: {  	_ =	shalt  }
0x72: {  	_ =	shalt  }
0x73: {  	_ =	shalt  }
0x74: {  	_ =	shalt  }
0x75: {  	_ =	shalt  }
0x76: {  	_ =	shalt  }
0x77: {  	_ =	shalt  }
0x78: {  	_ =	shalt  }
0x79: {  	_ =	shalt  }
0x7a: {  	_ =	shalt  }
0x7b: {  	_ =	shalt  }
0x7c: {  	_ =	shalt  }
0x7d: {  	_ =	shalt  }
0x7e: {  	_ =	shalt  }
0x7f: {  	_ =	shalt  }
0x80: {  	_ =	shalt  }
0x81: {  	_ =	shalt  }
0x82: {  	_ =	shalt  }
0x83: {  	_ =	shalt  }
0x84: {  	_ =	shalt  }
0x85: {  	_ =	shalt  }
0x86: {  	_ =	shalt  }
0x87: {  	_ =	shalt  }
.Lfunc_end0:
.L_simem_size_0:
called_computation.4_lowered:
.L_overlay_start_0:
0x88: {  	s2 =	sld [smem:$0x3FD9]  }
0x89: {  	s3 =	sld [smem:$0x3FFE];
	_ =	sdelay $0x1  }
0x8a: {  	s1 =	srdreg.scid  }
0x8b: {  	s0 =	sand.u32 $0x1, s1  }
0x8c: {  	s16 =	sshll.u32 s0, $0xA;
	s2 =	sadd.s32 s3, s2  }
0x8d: {  	s2 =	sadd.s32 s2, s16  }
0x8e: {  	[smem:$0x3FC1] =	sst s2  }
0x8f: {  	_ = 	snop  }
0x90: {  	(tm) =	ssettm $0x1  }
0x91: {  	s17 =	sld [smem:$0x3FFB];
	_ =	sdelay $0x3  }
0x92: {  	_ =	strace s17  }
0x93: {  	s2 =	sld [smem:$0x3FFC];
	_ =	sdelay $0x3  }
0x94: {  	_ =	strace s2  }
0x95: {  	s2 =	sld [smem:$0x3FFD];
	_ =	sdelay $0x3  }
0x96: {  	_ =	strace s2  }
0x97: {  	_ =	strace $0x8FFFFFFF  }
0x98: {  	s18 =	sld [smem:$0x3FDB];
	_ =	sdelay $0x1  }
0x99: {  	s19 =	simm.s32 $_scs_section_size  }
0x9a: {  	s4 =	simm.s32 $_size__tile_overlayer_lowered;
	s5 =	simm.s32 $_tile_overlayer_lowered  }
0x9b: {  	s22 =	simm.s32 $0x1BFF;
	s21 =	sshll.u32 s5, $0x1;
	s2 =	sadd.s32 s19, s18  }
0x9c: {  	s6 =	simm.s32 $0x0;
	s20 =	sshll.u32 s4, $0x1;
	s4 =	sadd.s32 s21, s2  }
0x9d: {  	[timem:s6], [sflag:s22] =	dma.local [hbm:s4], s20  }
0x9e: {  	_ =	swait.ge [sflag:s22], s20  }
0x9f: {  	s3 =	ssub.s32 $0x0, s20;
	[sflag:s22] =	ssyncset.done $0x0  }
0xa0: {  	[sflag:s22] =	ssyncadd.s32 s3;
	_ =	sdelay $0x1  }
0xa1: {  	s23 =	simm.s32 $0x1B8B  }
0xa2: {  	_ =	swait.ge [sflag:s23], $0x1  }
0xa3: {  	[sflag:s23] =	ssyncset.done $0x0  }
0xa4: {  	s25 =	simm.s32 $0x1B8E;
	s24 =	sld [smem:$0x3FFE];
	[sflag:s23] =	ssyncadd.s32 $0xFFFFFFFF  }
0xa5: {  	s26 =	simm.s32 $execute0_lowered;
	[smem:$0x3FD2] =	sst s25  }
0xa6: {  	s4 =	sshll.u32 s26, $0x1;
	_ =	strace $0x80000049;
	[dreg:$0x1] =	wrdreg $0xFFFFFFFF  }
0xa7: {  	s28 =	simm.s32 $_size_execute0_lowered;
	s2 =	sadd.s32 s2, s4;
	[dreg:$0x0] =	wrdreg $0x0  }
0xa8: {  	s4 =	sshll.u32 s28, $0x1;
	[dreg:$0x2] =	wrdreg s2  }
0xa9: {  	[dreg:$0x3] =	wrdreg s4  }
0xaa: {  	[dreg:$0x4] =	wrdreg $0xC0  }
0xab: {  	_ =	task [dreg:s6], $0x5FFFF  }
0xac: {  	[dreg:$0x1] =	wrdreg $0xFFFFFFFF  }
0xad: {  	[dreg:$0x0] =	wrdreg $0x60  }
0xae: {  	[dreg:$0x2] =	wrdreg s24  }
0xaf: {  	[dreg:$0x3] =	wrdreg $0x9  }
0xb0: {  	_ =	task.clear_ibuf [dreg:s6], $0x4FFFF;
	_ =	strace $0x90000049  }
0xb1: {  	s29 =	simm.s32 $0x9;
	_ =	strace $0x8000004B  }
0xb2: {  	_ =	swait.ge [sflag:s29], $0x1  }
0xb3: {  	[sflag:s29] =	ssyncadd.s32 $0xFFFFFFFF  }
0xb4: {  	_ =	strace $0x9000004B  }
0xb5: {  	_ =	sfence  }
0xb6: {  	s30 =	sld [smem:$0x0];
	_ =	sdelay $0x2  }
0xb7: {  	s31 =	sshll.u32 s1, $0xD;
	s1 =	sshrl.u32 s1, $0x2  }
0xb8: {  	s3 =	sand.u32 $0x4000, s31;
	s1 =	sadd.s32 s1, s30  }
0xb9: {  	s0 =	sor.u32 s3, s0;
	s1 =	sshll.u32 s1, $0x11  }
0xba: {  	s0 =	sor.u32 s1, s0  }
0xbb: {  	s0 =	sadd.s32 $0x8F2B, s0  }
0xbc: {  	[sflag:s0] =	ssyncadd.remote.s32 $0x1  }
0xbd: {  	_ =	sfence.sel $0xFFFF  }
0xbe: {  	[dreg:$0x0] =	wrdreg $0xFFFFFFFF;
	(pc) =	sbr.abs _section_cstart, $3  }
0xbf: {  	[dreg:$0x1] =	wrdreg $0xFFFFFFFF  }
0xc0: {  	_ =	task.clear_ibuf [dreg:s6], $0x2FFFF;
	_ =	strace $0x9FFFFFFF  }
0xc1: {  	(tm) =	ssettm $0x7FFFFFFF  }
tec
execute0_lowered:
.L_overlay_start_1:
0x0: {  	(tag) =	ssettag $0x1  }
0x1: {  	s8 =	rddreg [dreg:$0x0];
	s1 =	stileid.u32  }
0x2: {  	s2 =	srdreg.scid;
	s0 =	rddreg [dreg:$0x1]  }
0x3: {  	_ =	strace $0x8000004A;
	s5 =	simm.s32 $0x1;
	s9 =	simm.s32 $0x1  }
0x4: {  	s10 =	simm.s32 $0x3;
	s2 =	sand.u32 $0x1, s2;
	s3 =	sshll.u32 s1, $0x1  }
0x5: {  	s13 =	simm.s32 $0x0;
	s12 =	simm.s32 $0x0;
	s6 =	sor.u32 s3, s2  }
0x6: {  	[sflag:s5] =	ssyncpa.u1 $0x0;
	s2 =	sadd.s32 $0x2400, s8;
	s4 =	smul.u32 $0xA0, s6  }
0x7: {  	s3 =	sadd.s32 $0x1400, s8;
	p0 =	slt.u32 s6, $0x13;
	s6 =	simm.s32 $0x1400  }
.Ltmp0:
0x8: {  	s6 =	simm.s32 @!p0 $0x0;
	s7 =	ssub.s32 $0x1F40, s4;
	(pc) =	sbr.rel .LBB2_1-.Ltmp0, $4  }
0x9: {  	s9 =	simm.s32 @!p0 $0x0;
	p0 =	sne.s32 s7, s6;
	s7 =	simm.s32 $0x1  }
0xa: {  	s8 =	sadd.s32 $0x4C00, s8;
	s6 =	simm.s32 $0x2;
	s7 =	simm.s32 @!p0 $0x0  }
0xb: {  	s11 =	smov.u32 s4;
	[sflag:s6] =	ssyncpa.u1 $0x0;
	s7 =	sadd.s32 s9, s7  }
0xc: {  	vm0 =	vmmov $0xffff;
	[sflag:s10] =	ssyncpa.u1 $0x0;
	s10 =	simm.s32 $0x0;
	s9 =	sadd.s32 $0x1, s7  }
.LBB2_4:
0xd: {  	vm2 =	veq.s32 v2, $0x80000000;
	v4 =	vand.u32 $0x3, v4;
	v5 =	vor.u32 v6, v5  }
0xe: {  	v1 =	vand.u32 $0x7FFF, v1;
	v7 =	vshrl.u32 v2, $0xF;
	v56 =	vand.u32 $0x7FFF, v2  }
0xf: {  	v4 =	vsel vm1, $0xFFFFFFFF, v4;
	v3 =	vor.u32 v3, v5;
	v1 =	vsel vm1, $0xFFFFFFFF, v1  }
0x10: {  	vm1 =	vmmov vm2;
	v7 =	vand.u32 $0x3, v7;
	v54 =	vshrl.u32 v4, $0x2  }
0x11: {  	v4 =	vshll.u32 v4, $0x7;
	v55 =	vshll.u32 v1, $0x2;
	v57 =	vsel vm1, $0xFFFFFFFF, v7  }
0x12: {  	v2 =	vsel vm1, $0xFFFFFFFF, v56;
	v1 =	vand.u32 $0x7F, v1;
	v5 =	vmul.u32 $0x13A00, v54  }
0x13: {  	v6 =	vand.u32 $0xFFFFFE00, v55;
	v4 =	vand.u32 $0x180, v4;
	v7 =	vshrl.u32 v57, $0x2  }
0x14: {  	v59 =	vshll.u32 v2, $0x2;
	v58 =	vmul.u32 $0x13A00, v7;
	v5 =	vadd.s32 v6, v5  }
0x15: {  	v7 =	vand.u32 $0xFFFFFE00, v59;
	v6 =	vshll.u32 v57, $0x7;
	v4 =	vor.u32 v4, v5  }
0x16: {  	v60 =	vadd.s32 v7, v58;
	v61 =	vand.u32 $0x180, v6;
	v1 =	vor.u32 v1, v4  }
0x17: {  	[tilespmem:s16], [sflag:$0x1] =	stream.indirect_vreg.gather [hbm4b:s2+s10], $0x1, v0, vm0, $0x4038;
	v62 =	vand.u32 $0x7F, v2;
	v63 =	vor.u32 v61, v60;
	[tilespmem:$0x280] =	vst v63  }
0x18: {  	(ifvalue) =	ssetifvalue $0x7FFFFFFF;
	v0 =	vor.u32 v62, v63  }
0x19: {  	[tilespmem:s15], [sflag:$0x1] =	stream.indirect_vreg.gather [hbm4b:s2+s10], $0x1, v3, vm0, $0x4038;
	[tilespmem:$0x280] =	vst v63  }
0x1a: {  	s29 =	sadd.s32 $0x10, s15;
	(ifvalue) =	ssetifvalue $0x7FFFFFFF  }
0x1b: {  	[tilespmem:s29], [sflag:$0x1] =	stream.indirect_vreg.gather [hbm4b:s2+s10], $0x1, v1, vm0, $0x4038;
	[tilespmem:$0x280] =	vst v63  }
0x1c: {  	s15 =	sadd.s32 $0x10, s29;
	(ifvalue) =	ssetifvalue $0x7FFFFFFF  }
0x1d: {  	[tilespmem:s15], [sflag:$0x1] =	stream.indirect_vreg.gather [hbm4b:s2+s10], $0x1, v0, vm0, $0x4038;
	[tilespmem:$0x280] =	vst v63  }
0x1e: {  	_ =	swait.ge [sflag:s5], $0xA0  }
0x1f: {  	s30 =	sshrl.u32 s13, $0x3;
	[sflag:s5] =	ssyncset.done $0x0  }
0x20: {  	s31 =	sand.u32 $0x7, s13;
	s15 =	sadd.s32 s8, s30;
	[sflag:s5] =	ssyncadd.s32 $0xFFFFFF60  }
0x21: {  	[hbm4b:s15+s31] =	stream.linear.scatter [tilespmem:s14], [sflag:$0x3], $0xA0, $0x38;
	[tilespmem:$0x280] =	vst v63  }
.LBB2_5:
0x22: {  	s15 =	sadd.s32 $0x1400, s11  }
0x23: {  	p1 =	sgt.s32 s15, $0x1F3F  }
0x24: {  	s15 =	smov.u32 @p1 s4;
	p1 =	sne.s32 s12, s9  }
.Ltmp1:
0x25: {  	p0 =	slt.u32 s12, $0x2;
	(pc) =	sbr.rel @!p1 .LBB2_6-.Ltmp1, $4  }
0x26: {  	s14 =	simm.s32 @!p0 $0x3  }
0x27: {  	_ =	swait.ge @!p0 [sflag:s14], $0xA0  }
0x28: {  	s16 =	sadd.s32 $0x1, s12;
	s13 =	smov.u32 s11;
	[sflag:s14] =	ssyncset.done @!p0 $0x0  }
0x29: {  	s12 =	smov.u32 s16;
	s11 =	smov.u32 s15;
	[sflag:s14] =	ssyncadd.s32 @!p0 $0xFFFFFF60  }
.LBB2_1:
0x2a: {  	p0 =	sge.u32 s12, s7  }
0x2b: {  	s14 =	sxor.u32 @!p0 $0x1, s12  }
0x2c: {  	s14 =	smul.u32 @!p0 $0x280, s14  }
0x2d: {  	s31 =	sadd.s32 $0xFFFFFFFF, s12;
	s15 =	sshrl.u32 @!p0 s11, $0x3  }
0x2e: {  	s16 =	sand.u32 @!p0 $0x7, s11;
	s15 =	sadd.s32 @!p0 s3, s15;
	s14 =	sshra.s32 @!p0 s14, $0x2  }
0x2f: {  	[tilespmem:s14], [sflag:$0x2] =	stream.linear.gather @!p0 [hbm4b:s15+s16], $0xA0, $0x38;
	[tilespmem:$0x280] =	vst v63  }
0x30: {  	p0 =	sge.u32 s31, s7  }
.Ltmp2:
0x31: {  	_ = 	snop;
	(pc) =	sbr.rel @p0 .LBB2_5-.Ltmp2, $1  }
0x32: {  	_ =	sdelay $0x3  }
0x33: {  	s14 =	sand.u32 $0x1, s12  }
0x34: {  	_ =	swait.ge [sflag:s6], $0xA0;
	p0 =	seq.s32 s14, $0x1;
	s14 =	simm.s32 $0xA0  }
0x35: {  	[sflag:s6] =	ssyncset.done $0x0;
	s14 =	simm.s32 @!p0 $0x0  }
0x36: {  	[sflag:s6] =	ssyncadd.s32 $0xFFFFFF60;
	(ifvalue) =	ssetifvalue $0x7FFFFFFF;
	v0 =	vld.msk [tilespmem:s14+$0x0 ss:$0x1], $0xffff;
	_ =	sdelay $0x2  }
0x37: {  	s15 =	sadd.s32 $0x10, s14  }
0x38: {  	v2 =	vld.msk [tilespmem:s15+$0x0 ss:$0x1], $0xffff  }
0x39: {  	vm1 =	veq.s32 v0, $0x80000000;
	v1 =	vshrl.u32 v0, $0xF  }
0x3a: {  	vm1 =	vmmov vm1;
	v3 =	vand.u32 $0x3, v1  }
0x3b: {  	v0 =	vand.u32 $0x7FFF, v0;
	v3 =	vsel vm1, $0xFFFFFFFF, v3  }
0x3c: {  	s15 =	sadd.s32 $0x10, s15;
	v0 =	vsel vm1, $0xFFFFFFFF, v0;
	v4 =	vshrl.u32 v3, $0x2  }
0x3d: {  	v1 =	vld.msk [tilespmem:s15+$0x0 ss:$0x1], $0xffff;
	v6 =	vshrl.u32 v2, $0xF;
	v5 =	vshll.u32 v0, $0x2;
	v4 =	vmul.u32 $0x13A00, v4  }
0x3e: {  	vm1 =	veq.s32 v2, $0x80000000;
	v3 =	vshll.u32 v3, $0x7;
	v5 =	vand.u32 $0xFFFFFE00, v5  }
0x3f: {  	v0 =	vand.u32 $0x7F, v0;
	v3 =	vand.u32 $0x180, v3;
	v4 =	vadd.s32 v5, v4  }
0x40: {  	vm1 =	vmmov vm1;
	v5 =	vand.u32 $0x3, v6;
	v3 =	vor.u32 v3, v4  }
0x41: {  	v2 =	vand.u32 $0x7FFF, v2;
	v4 =	vsel vm1, $0xFFFFFFFF, v5;
	v0 =	vor.u32 v0, v3  }
0x42: {  	s15 =	sadd.s32 $0x10, s15;
	vm2 =	veq.s32 v1, $0x80000000;
	v3 =	vsel vm1, $0xFFFFFFFF, v2;
	v2 =	vshrl.u32 v4, $0x2  }
0x43: {  	s14 =	sor.u32 $0x140, s14;
	v6 =	vshll.u32 v4, $0x7;
	v5 =	vmul.u32 $0x13A00, v2;
	v4 =	vshll.u32 v3, $0x2;
	v2 =	vld.msk [tilespmem:s15+$0x0 ss:$0x1], $0xffff  }
0x44: {  	s17 =	simm.s32 $0x30;
	s16 =	smov.u32 s14;
	vm1 =	vmmov vm2;
	v3 =	vand.u32 $0x7F, v3;
	v7 =	vand.u32 $0xFFFFFE00, v4  }
0x45: {  	s18 =	sadd.s32 $0x10, s15;
	v6 =	vand.u32 $0x180, v6;
	(ifvalue) =	ssetifvalue $0x7FFFFFFF;
	s15 =	sadd.s32 $0x10, s14;
	v4 =	vshrl.u32 v1, $0xF;
	v5 =	vadd.s32 v7, v5  }
.LBB2_3:
0x46: {  	[tilespmem:s16], [sflag:$0x1] =	stream.indirect_vreg.gather [hbm4b:s2+s10], $0x1, v0, vm0, $0x4038;
	[tilespmem:$0x280] =	vst v63  }
0x47: {  	s17 =	sadd.s32 $0x10, s17  }
0x48: {  	vm2 =	veq.s32 v2, $0x80000000;
	v4 =	vand.u32 $0x3, v4;
	v5 =	vor.u32 v6, v5;
	v6 =	vmovc v2;
	v2 =	vld.msk [tilespmem:s18+$0x0 ss:$0x1], $0xffff;
	p0 =	slt.u32 s17, $0x90  }
.Ltmp3:
0x49: {  	v7 =	vand.u32 $0x7FFF, v1;
	s16 =	smov.u32 s15;
	v4 =	vsel vm1, $0xFFFFFFFF, v4;
	v0 =	vor.u32 v3, v5;
	v1 =	vmovc v6;
	(pc) =	sbr.rel @p0 .LBB2_3-.Ltmp3, $4  }
0x4a: {  	v5 =	vsel vm1, $0xFFFFFFFF, v7;
	v6 =	vshrl.u32 v4, $0x2;
	v7 =	vshll.u32 v4, $0x7  }
0x4b: {  	v3 =	vand.u32 $0x7F, v5;
	v4 =	vshll.u32 v5, $0x2;
	v6 =	vmul.u32 $0x13A00, v6  }
0x4c: {  	vm1 =	vmmov vm2;
	v5 =	vand.u32 $0xFFFFFE00, v4  }
0x4d: {  	s18 =	sadd.s32 $0x10, s18;
	s15 =	sadd.s32 $0x10, s15;
	v4 =	vshrl.u32 v1, $0xF;
	v5 =	vadd.s32 v5, v6;
	v6 =	vand.u32 $0x180, v7;
	(ifvalue) =	ssetifvalue $0x7FFFFFFF  }
.Ltmp4:
0x4e: {  	_ = 	snop;
	(pc) =	sbr.rel .LBB2_4-.Ltmp4, $1  }
0x4f: {  	_ =	sdelay $0x3  }
.LBB2_6:
0x50: {  	_ =	sfence.sel $0x180000  }
0x51: {  	s2 =	simm.s32 $0x2;
	[bflag:$0x0] =	sbarrier.arrive $0xFFFF  }
0x52: {  	s30 =	simm.s32 $0x3;
	[sflag:s2] =	ssyncpa.u1 $0x1  }
0x53: {  	s31 =	simm.s32 $0x1;
	[sflag:s30] =	ssyncpa.u1 $0x1  }
0x54: {  	[sflag:s31] =	ssyncpa.u1 $0x1  }
0x55: {  	p0 =	sne.s32 s1, $0x0;
	_ =	strace $0x9000004A  }
0x56: {  	s0 =	sadd.s32 @!p0 $0x100000, s0;
	[bflag:$0x2] =	sbarrier.arrive $0xFFFF  }
0x57: {  	[sflag:s0] =	ssyncadd.tile.s32 @!p0 $0x1;
	_ =	shalt  }
.Lfunc_end2:
_tile_overlayer_lowered:
.L_overlay_start_2:
0x58: {  	(tag) =	ssettag $0x2  }
0x59: {  	s0 =	rddreg [dreg:$0x0];
	s2 =	stileid.u32  }
0x5a: {  	s1 =	rddreg [dreg:$0x1];
	p0 =	sne.s32 s2, $0x0  }
0x5b: {  	s3 =	rddreg [dreg:$0x2];
	[bflag:$0x3] =	sbarrier.arrive $0xFFFF;
	s2 =	simm.s32 @!p0 $0x1C01  }
0x5c: {  	[timem:s3], [sflag:s2] =	dma.local @!p0 [hbm:s0], s1  }
0x5d: {  	s0 =	simm.s32 @!p0 $0x1  }
0x5e: {  	_ =	swait.ge @!p0 [sflag:s0], s1  }
0x5f: {  	s1 =	ssub.s32 @!p0 $0x0, s1;
	[sflag:s0] =	ssyncset.done @!p0 $0x0  }
0x60: {  	[sflag:s0] =	ssyncadd.s32 @!p0 s1  }
0x61: {  	[bflag:$0x3] =	sbarrier.arrive $0xFFFF  }
0x62: {  	_ =	shalt  }

// kernel: gather_offload_async_start.5
scs
__scs_entry_jumppad:
0x0: {  	(pc) =	sbr.rel $0x88, $3  }
0x1: {  	(tag) =	ssettag $0x0;
	lr =	simm.s32 $0x1  }
0x2: {  	[smem:$0x3F9A] =	sst lr;
	_ =	strace $0xD0000000  }
0x3: {  	_ = 	snop  }
0x4: {  	_ = 	snop  }
0x5: {  	_ = 	snop  }
0x6: {  	_ = 	snop  }
0x7: {  	_ = 	snop  }
__scs_overlays_trampoline_lowered:
0x8: {  	[smem:$0x3FA9] =	sst s0  }
0x9: {  	[smem:$0x3FAA] =	sst s1  }
0xa: {  	[smem:$0x3FAB] =	sst s2  }
0xb: {  	[smem:$0x3FAC] =	sst s3  }
0xc: {  	[smem:$0x3FAD] =	sst s4  }
0xd: {  	[smem:$0x3FAE] =	sst s5  }
0xe: {  	[smem:$0x3FAF] =	sst s6  }
0xf: {  	[smem:$0x3FB0] =	sst s7  }
0x10: {  	[smem:$0x3FB1] =	sst s8  }
0x11: {  	[smem:$0x3FB2] =	sst s9;
	s0 =	simm.s32 @!p0 $0x0  }
0x12: {  	s1 =	sld [smem:$0x3F98];
	s0 =	simm.s32 @p0 $0x1  }
0x13: {  	[smem:$0x3FB3] =	sst s0;
	s0 =	simm.s32 @!p1 $0x0  }
0x14: {  	s2 =	sld [smem:$0x3F97];
	s0 =	simm.s32 @p1 $0x1  }
0x15: {  	[smem:$0x3FB4] =	sst s0;
	s0 =	simm.s32 @!p2 $0x0  }
0x16: {  	s3 =	sld [smem:$0x3FDB];
	s0 =	simm.s32 @p2 $0x1  }
0x17: {  	s4 =	simm.s32 $0x1BF5;
	[smem:$0x3FB6] =	sst s0  }
0x18: {  	s0 =	sld [smem:$0x3F99];
	_ =	swait.ge [sflag:s4], $0x0  }
0x19: {  	s7 =	sld [smem:$0x3F9A]  }
0x1a: {  	s8 =	sadd.s32 $0xFFFFE003, lr  }
0x1b: {  	s9 =	sadd.s32 $0xFFFFFEF7, lr;
	s5 =	simm.s32 $0xFFFFFFFF;
	p2 =	slt.u32 s8, $0xFFFFF086  }
0x1c: {  	p1 =	slt.u32 s9, $0xF7A;
	s5 =	simm.s32 @!p2 $0x0  }
0x1d: {  	s5 =	simm.s32 @p1 $0x1;
	p0 =	seq.s32 s7, s2  }
0x1e: {  	s7 =	smul.u32 @!p0 $0xF7A, s2;
	p2 =	seq.s32 @!p0 s5, $0x0  }
0x1f: {  	s9 =	smul.u32 $0xF7A, s1;
	s8 =	simm.s32 @!p0 $0x1BF5;
	p2 =	por !p2, p0  }
0x20: {  	[sflag:s8] =	ssyncset.s32 @!p0 $0xFFFFF086;
	s6 =	sadd.s32 @!p0 s3, s7;
	s7 =	simm.s32 @!p0 $0x108  }
0x21: {  	s3 =	sadd.s32 s3, s9;
	s6 =	sadd.s32 @!p0 $0x88, s6;
	s7 =	simm.s32 @p2 $0x1082  }
0x22: {  	[simem:s7], [sflag:s8] =	dma.local @!p0 [hbm:s6], $0xF7A  }
0x23: {  	s9 =	sor.u32 $0xD0000000, s2;
	s6 =	simm.s32 $0x108;
	_ =	swait.ge @!p0 [sflag:s8], $0x0  }
0x24: {  	s3 =	sadd.s32 $0x88, s3;
	s6 =	simm.s32 @!p1 $0x1082;
	[sflag:s4] =	ssyncset.s32 $0xFFFFF086  }
0x25: {  	[simem:s6], [sflag:s4] =	dma.local [hbm:s3], $0xF7A  }
0x26: {  	[smem:$0x3F9A] =	sst s1;
	(tag) =	ssettag s2;
	_ =	strace s9  }
0x27: {  	s1 =	sld [smem:$0x3FAA]  }
0x28: {  	s2 =	sld [smem:$0x3FAB]  }
0x29: {  	s4 =	sld [smem:$0x3FAD]  }
0x2a: {  	p0 =	seq.s32 s5, $0x0;
	s5 =	sld [smem:$0x3FAE]  }
0x2b: {  	s6 =	sld [smem:$0x3FAF]  }
0x2c: {  	s7 =	sld [smem:$0x3FB0]  }
0x2d: {  	s3 =	simm.s32 $0x108;
	s8 =	sld [smem:$0x3FB1]  }
0x2e: {  	s3 =	simm.s32 @!p0 $0x1082;
	s9 =	sld [smem:$0x3FB2]  }
0x2f: {  	lr =	sadd.s32 s0, s3;
	s0 =	sld [smem:$0x3FA9]  }
0x30: {  	s3 =	sld [smem:$0x3FAC]  }
0x31: {  	[smem:$0x3FB5] =	sst s10  }
0x32: {  	s10 =	sld [smem:$0x3FB3];
	_ =	sdelay $0x3  }
0x33: {  	p0 =	seq.s32 s10, $0x1;
	s10 =	sld [smem:$0x3FB5];
	_ =	sdelay $0x3  }
0x34: {  	[smem:$0x3FB5] =	sst s10  }
0x35: {  	s10 =	sld [smem:$0x3FB4];
	_ =	sdelay $0x3  }
0x36: {  	p1 =	seq.s32 s10, $0x1;
	s10 =	sld [smem:$0x3FB5];
	_ =	sdelay $0x3  }
0x37: {  	[smem:$0x3FB5] =	sst s10  }
0x38: {  	s10 =	sld [smem:$0x3FB6]  }
0x39: {  	_ = 	snop;
	(pc) =	sbr.ind lr, $3  }
0x3a: {  	_ = 	snop  }
0x3b: {  	_ = 	snop  }
0x3c: {  	p2 =	seq.s32 s10, $0x1;
	s10 =	sld [smem:$0x3FB5]  }
0x3d: {  	_ =	shalt  }
0x3e: {  	_ =	shalt  }
0x3f: {  	_ =	shalt  }
0x40: {  	_ =	shalt  }
0x41: {  	_ =	shalt  }
0x42: {  	_ =	shalt  }
0x43: {  	_ =	shalt  }
0x44: {  	_ =	shalt  }
0x45: {  	_ =	shalt  }
0x46: {  	_ =	shalt  }
0x47: {  	_ =	shalt  }
0x48: {  	_ =	shalt  }
0x49: {  	_ =	shalt  }
0x4a: {  	_ =	shalt  }
0x4b: {  	_ =	shalt  }
0x4c: {  	_ =	shalt  }
0x4d: {  	_ =	shalt  }
0x4e: {  	_ =	shalt  }
0x4f: {  	_ =	shalt  }
0x50: {  	_ =	shalt  }
0x51: {  	_ =	shalt  }
0x52: {  	_ =	shalt  }
0x53: {  	_ =	shalt  }
0x54: {  	_ =	shalt  }
0x55: {  	_ =	shalt  }
0x56: {  	_ =	shalt  }
0x57: {  	_ =	shalt  }
0x58: {  	_ =	shalt  }
0x59: {  	_ =	shalt  }
0x5a: {  	_ =	shalt  }
0x5b: {  	_ =	shalt  }
0x5c: {  	_ =	shalt  }
0x5d: {  	_ =	shalt  }
0x5e: {  	_ =	shalt  }
0x5f: {  	_ =	shalt  }
0x60: {  	_ =	shalt  }
0x61: {  	_ =	shalt  }
0x62: {  	_ =	shalt  }
0x63: {  	_ =	shalt  }
0x64: {  	_ =	shalt  }
0x65: {  	_ =	shalt  }
0x66: {  	_ =	shalt  }
0x67: {  	_ =	shalt  }
0x68: {  	_ =	shalt  }
0x69: {  	_ =	shalt  }
0x6a: {  	_ =	shalt  }
0x6b: {  	_ =	shalt  }
0x6c: {  	_ =	shalt  }
0x6d: {  	_ =	shalt  }
0x6e: {  	_ =	shalt  }
0x6f: {  	_ =	shalt  }
0x70: {  	_ =	shalt  }
0x71: {  	_ =	shalt  }
0x72: {  	_ =	shalt  }
0x73: {  	_ =	shalt  }
0x74: {  	_ =	shalt  }
0x75: {  	_ =	shalt  }
0x76: {  	_ =	shalt  }
0x77: {  	_ =	shalt  }
0x78: {  	_ =	shalt  }
0x79: {  	_ =	shalt  }
0x7a: {  	_ =	shalt  }
0x7b: {  	_ =	shalt  }
0x7c: {  	_ =	shalt  }
0x7d: {  	_ =	shalt  }
0x7e: {  	_ =	shalt  }
0x7f: {  	_ =	shalt  }
0x80: {  	_ =	shalt  }
0x81: {  	_ =	shalt  }
0x82: {  	_ =	shalt  }
0x83: {  	_ =	shalt  }
0x84: {  	_ =	shalt  }
0x85: {  	_ =	shalt  }
0x86: {  	_ =	shalt  }
0x87: {  	_ =	shalt  }
.Lfunc_end0:
.L_simem_size_0:
called_computation.5_lowered:
.L_overlay_start_0:
0x88: {  	s2 =	sld [smem:$0x3FD9]  }
0x89: {  	s3 =	sld [smem:$0x3FFE];
	_ =	sdelay $0x1  }
0x8a: {  	s1 =	srdreg.scid  }
0x8b: {  	s0 =	sand.u32 $0x1, s1  }
0x8c: {  	s16 =	sshll.u32 s0, $0xA;
	s2 =	sadd.s32 s3, s2  }
0x8d: {  	s2 =	sadd.s32 s2, s16  }
0x8e: {  	[smem:$0x3FC1] =	sst s2  }
0x8f: {  	_ = 	snop  }
0x90: {  	(tm) =	ssettm $0x1  }
0x91: {  	s17 =	sld [smem:$0x3FFB];
	_ =	sdelay $0x3  }
0x92: {  	_ =	strace s17  }
0x93: {  	s2 =	sld [smem:$0x3FFC];
	_ =	sdelay $0x3  }
0x94: {  	_ =	strace s2  }
0x95: {  	s2 =	sld [smem:$0x3FFD];
	_ =	sdelay $0x3  }
0x96: {  	_ =	strace s2  }
0x97: {  	_ =	strace $0x8FFFFFFF  }
0x98: {  	s18 =	sld [smem:$0x3FDB];
	_ =	sdelay $0x1  }
0x99: {  	s19 =	simm.s32 $_scs_section_size  }
0x9a: {  	s4 =	simm.s32 $_size__tile_overlayer_lowered;
	s5 =	simm.s32 $_tile_overlayer_lowered  }
0x9b: {  	s22 =	simm.s32 $0x1BFF;
	s21 =	sshll.u32 s5, $0x1;
	s2 =	sadd.s32 s19, s18  }
0x9c: {  	s6 =	simm.s32 $0x0;
	s20 =	sshll.u32 s4, $0x1;
	s4 =	sadd.s32 s21, s2  }
0x9d: {  	[timem:s6], [sflag:s22] =	dma.local [hbm:s4], s20  }
0x9e: {  	_ =	swait.ge [sflag:s22], s20  }
0x9f: {  	s3 =	ssub.s32 $0x0, s20;
	[sflag:s22] =	ssyncset.done $0x0  }
0xa0: {  	[sflag:s22] =	ssyncadd.s32 s3;
	_ =	sdelay $0x1  }
0xa1: {  	s23 =	simm.s32 $0x1B8B  }
0xa2: {  	_ =	swait.ge [sflag:s23], $0x1  }
0xa3: {  	[sflag:s23] =	ssyncset.done $0x0  }
0xa4: {  	s25 =	simm.s32 $0x1B8E;
	s24 =	sld [smem:$0x3FFE];
	[sflag:s23] =	ssyncadd.s32 $0xFFFFFFFF  }
0xa5: {  	s26 =	simm.s32 $execute0_lowered;
	[smem:$0x3FD2] =	sst s25  }
0xa6: {  	s4 =	sshll.u32 s26, $0x1;
	_ =	strace $0x8000004F;
	[dreg:$0x1] =	wrdreg $0xFFFFFFFF  }
0xa7: {  	s28 =	simm.s32 $_size_execute0_lowered;
	s2 =	sadd.s32 s2, s4;
	[dreg:$0x0] =	wrdreg $0x0  }
0xa8: {  	s4 =	sshll.u32 s28, $0x1;
	[dreg:$0x2] =	wrdreg s2  }
0xa9: {  	[dreg:$0x3] =	wrdreg s4  }
0xaa: {  	[dreg:$0x4] =	wrdreg $0xC0  }
0xab: {  	_ =	task [dreg:s6], $0x5FFFF  }
0xac: {  	[dreg:$0x1] =	wrdreg $0xFFFFFFFF  }
0xad: {  	[dreg:$0x0] =	wrdreg $0x60  }
0xae: {  	[dreg:$0x2] =	wrdreg s24  }
0xaf: {  	[dreg:$0x3] =	wrdreg $0x9  }
0xb0: {  	_ =	task.clear_ibuf [dreg:s6], $0x4FFFF;
	_ =	strace $0x9000004F  }
0xb1: {  	s29 =	simm.s32 $0x9;
	_ =	strace $0x80000051  }
0xb2: {  	_ =	swait.ge [sflag:s29], $0x1  }
0xb3: {  	[sflag:s29] =	ssyncadd.s32 $0xFFFFFFFF  }
0xb4: {  	_ =	strace $0x90000051  }
0xb5: {  	_ =	sfence  }
0xb6: {  	s30 =	sld [smem:$0x0];
	_ =	sdelay $0x2  }
0xb7: {  	s31 =	sshll.u32 s1, $0xD;
	s1 =	sshrl.u32 s1, $0x2  }
0xb8: {  	s3 =	sand.u32 $0x4000, s31;
	s1 =	sadd.s32 s1, s30  }
0xb9: {  	s0 =	sor.u32 s3, s0;
	s1 =	sshll.u32 s1, $0x11  }
0xba: {  	s0 =	sor.u32 s1, s0  }
0xbb: {  	s0 =	sadd.s32 $0x8F2B, s0  }
0xbc: {  	[sflag:s0] =	ssyncadd.remote.s32 $0x1  }
0xbd: {  	_ =	sfence.sel $0xFFFF  }
0xbe: {  	[dreg:$0x0] =	wrdreg $0xFFFFFFFF;
	(pc) =	sbr.abs _section_cstart, $3  }
0xbf: {  	[dreg:$0x1] =	wrdreg $0xFFFFFFFF  }
0xc0: {  	_ =	task.clear_ibuf [dreg:s6], $0x2FFFF;
	_ =	strace $0x9FFFFFFF  }
0xc1: {  	(tm) =	ssettm $0x7FFFFFFF  }
tec
execute0_lowered:
.L_overlay_start_1:
0x0: {  	(tag) =	ssettag $0x1  }
0x1: {  	s8 =	rddreg [dreg:$0x0];
	s1 =	stileid.u32  }
0x2: {  	s2 =	srdreg.scid;
	s0 =	rddreg [dreg:$0x1]  }
0x3: {  	_ =	strace $0x80000050;
	s5 =	simm.s32 $0x1;
	s9 =	simm.s32 $0x1  }
0x4: {  	s10 =	simm.s32 $0x3;
	s2 =	sand.u32 $0x1, s2;
	s3 =	sshll.u32 s1, $0x1  }
0x5: {  	s13 =	simm.s32 $0x0;
	s12 =	simm.s32 $0x0;
	s6 =	sor.u32 s3, s2  }
0x6: {  	[sflag:s5] =	ssyncpa.u1 $0x0;
	s2 =	sadd.s32 $0x2400, s8;
	s4 =	smul.u32 $0xA0, s6  }
0x7: {  	s3 =	sadd.s32 $0x1800, s8;
	p0 =	slt.u32 s6, $0x13;
	s6 =	simm.s32 $0x1400  }
.Ltmp0:
0x8: {  	s6 =	simm.s32 @!p0 $0x0;
	s7 =	ssub.s32 $0x1F40, s4;
	(pc) =	sbr.rel .LBB2_1-.Ltmp0, $4  }
0x9: {  	s9 =	simm.s32 @!p0 $0x0;
	p0 =	sne.s32 s7, s6;
	s7 =	simm.s32 $0x1  }
0xa: {  	s8 =	sadd.s32 $0x1400, s8;
	s6 =	simm.s32 $0x2;
	s7 =	simm.s32 @!p0 $0x0  }
0xb: {  	s11 =	smov.u32 s4;
	[sflag:s6] =	ssyncpa.u1 $0x0;
	s7 =	sadd.s32 s9, s7  }
0xc: {  	vm0 =	vmmov $0xffff;
	[sflag:s10] =	ssyncpa.u1 $0x0;
	s10 =	simm.s32 $0x0;
	s9 =	sadd.s32 $0x1, s7  }
.LBB2_4:
0xd: {  	vm2 =	veq.s32 v2, $0x80000000;
	v4 =	vand.u32 $0x3, v4;
	v5 =	vor.u32 v6, v5  }
0xe: {  	v1 =	vand.u32 $0x7FFF, v1;
	v7 =	vshrl.u32 v2, $0xF;
	v56 =	vand.u32 $0x7FFF, v2  }
0xf: {  	v4 =	vsel vm1, $0xFFFFFFFF, v4;
	v3 =	vor.u32 v3, v5;
	v1 =	vsel vm1, $0xFFFFFFFF, v1  }
0x10: {  	vm1 =	vmmov vm2;
	v7 =	vand.u32 $0x3, v7;
	v54 =	vshrl.u32 v4, $0x2  }
0x11: {  	v4 =	vshll.u32 v4, $0x7;
	v55 =	vshll.u32 v1, $0x2;
	v57 =	vsel vm1, $0xFFFFFFFF, v7  }
0x12: {  	v2 =	vsel vm1, $0xFFFFFFFF, v56;
	v1 =	vand.u32 $0x7F, v1;
	v5 =	vmul.u32 $0x13A00, v54  }
0x13: {  	v6 =	vand.u32 $0xFFFFFE00, v55;
	v4 =	vand.u32 $0x180, v4;
	v7 =	vshrl.u32 v57, $0x2  }
0x14: {  	v59 =	vshll.u32 v2, $0x2;
	v58 =	vmul.u32 $0x13A00, v7;
	v5 =	vadd.s32 v6, v5  }
0x15: {  	v7 =	vand.u32 $0xFFFFFE00, v59;
	v6 =	vshll.u32 v57, $0x7;
	v4 =	vor.u32 v4, v5  }
0x16: {  	v60 =	vadd.s32 v7, v58;
	v61 =	vand.u32 $0x180, v6;
	v1 =	vor.u32 v1, v4  }
0x17: {  	[tilespmem:s16], [sflag:$0x1] =	stream.indirect_vreg.gather [hbm4b:s2+s10], $0x1, v0, vm0, $0x4038;
	v62 =	vand.u32 $0x7F, v2;
	v63 =	vor.u32 v61, v60;
	[tilespmem:$0x280] =	vst v63  }
0x18: {  	(ifvalue) =	ssetifvalue $0x7FFFFFFF;
	v0 =	vor.u32 v62, v63  }
0x19: {  	[tilespmem:s15], [sflag:$0x1] =	stream.indirect_vreg.gather [hbm4b:s2+s10], $0x1, v3, vm0, $0x4038;
	[tilespmem:$0x280] =	vst v63  }
0x1a: {  	s29 =	sadd.s32 $0x10, s15;
	(ifvalue) =	ssetifvalue $0x7FFFFFFF  }
0x1b: {  	[tilespmem:s29], [sflag:$0x1] =	stream.indirect_vreg.gather [hbm4b:s2+s10], $0x1, v1, vm0, $0x4038;
	[tilespmem:$0x280] =	vst v63  }
0x1c: {  	s15 =	sadd.s32 $0x10, s29;
	(ifvalue) =	ssetifvalue $0x7FFFFFFF  }
0x1d: {  	[tilespmem:s15], [sflag:$0x1] =	stream.indirect_vreg.gather [hbm4b:s2+s10], $0x1, v0, vm0, $0x4038;
	[tilespmem:$0x280] =	vst v63  }
0x1e: {  	_ =	swait.ge [sflag:s5], $0xA0  }
0x1f: {  	s30 =	sshrl.u32 s13, $0x3;
	[sflag:s5] =	ssyncset.done $0x0  }
0x20: {  	s31 =	sand.u32 $0x7, s13;
	s15 =	sadd.s32 s8, s30;
	[sflag:s5] =	ssyncadd.s32 $0xFFFFFF60  }
0x21: {  	[hbm4b:s15+s31] =	stream.linear.scatter [tilespmem:s14], [sflag:$0x3], $0xA0, $0x38;
	[tilespmem:$0x280] =	vst v63  }
.LBB2_5:
0x22: {  	s15 =	sadd.s32 $0x1400, s11  }
0x23: {  	p1 =	sgt.s32 s15, $0x1F3F  }
0x24: {  	s15 =	smov.u32 @p1 s4;
	p1 =	sne.s32 s12, s9  }
.Ltmp1:
0x25: {  	p0 =	slt.u32 s12, $0x2;
	(pc) =	sbr.rel @!p1 .LBB2_6-.Ltmp1, $4  }
0x26: {  	s14 =	simm.s32 @!p0 $0x3  }
0x27: {  	_ =	swait.ge @!p0 [sflag:s14], $0xA0  }
0x28: {  	s16 =	sadd.s32 $0x1, s12;
	s13 =	smov.u32 s11;
	[sflag:s14] =	ssyncset.done @!p0 $0x0  }
0x29: {  	s12 =	smov.u32 s16;
	s11 =	smov.u32 s15;
	[sflag:s14] =	ssyncadd.s32 @!p0 $0xFFFFFF60  }
.LBB2_1:
0x2a: {  	p0 =	sge.u32 s12, s7  }
0x2b: {  	s14 =	sxor.u32 @!p0 $0x1, s12  }
0x2c: {  	s14 =	smul.u32 @!p0 $0x280, s14  }
0x2d: {  	s31 =	sadd.s32 $0xFFFFFFFF, s12;
	s15 =	sshrl.u32 @!p0 s11, $0x3  }
0x2e: {  	s16 =	sand.u32 @!p0 $0x7, s11;
	s15 =	sadd.s32 @!p0 s3, s15;
	s14 =	sshra.s32 @!p0 s14, $0x2  }
0x2f: {  	[tilespmem:s14], [sflag:$0x2] =	stream.linear.gather @!p0 [hbm4b:s15+s16], $0xA0, $0x38;
	[tilespmem:$0x280] =	vst v63  }
0x30: {  	p0 =	sge.u32 s31, s7  }
.Ltmp2:
0x31: {  	_ = 	snop;
	(pc) =	sbr.rel @p0 .LBB2_5-.Ltmp2, $1  }
0x32: {  	_ =	sdelay $0x3  }
0x33: {  	s14 =	sand.u32 $0x1, s12  }
0x34: {  	_ =	swait.ge [sflag:s6], $0xA0;
	p0 =	seq.s32 s14, $0x1;
	s14 =	simm.s32 $0xA0  }
0x35: {  	[sflag:s6] =	ssyncset.done $0x0;
	s14 =	simm.s32 @!p0 $0x0  }
0x36: {  	[sflag:s6] =	ssyncadd.s32 $0xFFFFFF60;
	(ifvalue) =	ssetifvalue $0x7FFFFFFF;
	v0 =	vld.msk [tilespmem:s14+$0x0 ss:$0x1], $0xffff;
	_ =	sdelay $0x2  }
0x37: {  	s15 =	sadd.s32 $0x10, s14  }
0x38: {  	v2 =	vld.msk [tilespmem:s15+$0x0 ss:$0x1], $0xffff  }
0x39: {  	vm1 =	veq.s32 v0, $0x80000000;
	v1 =	vshrl.u32 v0, $0xF  }
0x3a: {  	vm1 =	vmmov vm1;
	v3 =	vand.u32 $0x3, v1  }
0x3b: {  	v0 =	vand.u32 $0x7FFF, v0;
	v3 =	vsel vm1, $0xFFFFFFFF, v3  }
0x3c: {  	s15 =	sadd.s32 $0x10, s15;
	v0 =	vsel vm1, $0xFFFFFFFF, v0;
	v4 =	vshrl.u32 v3, $0x2  }
0x3d: {  	v1 =	vld.msk [tilespmem:s15+$0x0 ss:$0x1], $0xffff;
	v6 =	vshrl.u32 v2, $0xF;
	v5 =	vshll.u32 v0, $0x2;
	v4 =	vmul.u32 $0x13A00, v4  }
0x3e: {  	vm1 =	veq.s32 v2, $0x80000000;
	v3 =	vshll.u32 v3, $0x7;
	v5 =	vand.u32 $0xFFFFFE00, v5  }
0x3f: {  	v0 =	vand.u32 $0x7F, v0;
	v3 =	vand.u32 $0x180, v3;
	v4 =	vadd.s32 v5, v4  }
0x40: {  	vm1 =	vmmov vm1;
	v5 =	vand.u32 $0x3, v6;
	v3 =	vor.u32 v3, v4  }
0x41: {  	v2 =	vand.u32 $0x7FFF, v2;
	v4 =	vsel vm1, $0xFFFFFFFF, v5;
	v0 =	vor.u32 v0, v3  }
0x42: {  	s15 =	sadd.s32 $0x10, s15;
	vm2 =	veq.s32 v1, $0x80000000;
	v3 =	vsel vm1, $0xFFFFFFFF, v2;
	v2 =	vshrl.u32 v4, $0x2  }
0x43: {  	s14 =	sor.u32 $0x140, s14;
	v6 =	vshll.u32 v4, $0x7;
	v5 =	vmul.u32 $0x13A00, v2;
	v4 =	vshll.u32 v3, $0x2;
	v2 =	vld.msk [tilespmem:s15+$0x0 ss:$0x1], $0xffff  }
0x44: {  	s17 =	simm.s32 $0x30;
	s16 =	smov.u32 s14;
	vm1 =	vmmov vm2;
	v3 =	vand.u32 $0x7F, v3;
	v7 =	vand.u32 $0xFFFFFE00, v4  }
0x45: {  	s18 =	sadd.s32 $0x10, s15;
	v6 =	vand.u32 $0x180, v6;
	(ifvalue) =	ssetifvalue $0x7FFFFFFF;
	s15 =	sadd.s32 $0x10, s14;
	v4 =	vshrl.u32 v1, $0xF;
	v5 =	vadd.s32 v7, v5  }
.LBB2_3:
0x46: {  	[tilespmem:s16], [sflag:$0x1] =	stream.indirect_vreg.gather [hbm4b:s2+s10], $0x1, v0, vm0, $0x4038;
	[tilespmem:$0x280] =	vst v63  }
0x47: {  	s17 =	sadd.s32 $0x10, s17  }
0x48: {  	vm2 =	veq.s32 v2, $0x80000000;
	v4 =	vand.u32 $0x3, v4;
	v5 =	vor.u32 v6, v5;
	v6 =	vmovc v2;
	v2 =	vld.msk [tilespmem:s18+$0x0 ss:$0x1], $0xffff;
	p0 =	slt.u32 s17, $0x90  }
.Ltmp3:
0x49: {  	v7 =	vand.u32 $0x7FFF, v1;
	s16 =	smov.u32 s15;
	v4 =	vsel vm1, $0xFFFFFFFF, v4;
	v0 =	vor.u32 v3, v5;
	v1 =	vmovc v6;
	(pc) =	sbr.rel @p0 .LBB2_3-.Ltmp3, $4  }
0x4a: {  	v5 =	vsel vm1, $0xFFFFFFFF, v7;
	v6 =	vshrl.u32 v4, $0x2;
	v7 =	vshll.u32 v4, $0x7  }
0x4b: {  	v3 =	vand.u32 $0x7F, v5;
	v4 =	vshll.u32 v5, $0x2;
	v6 =	vmul.u32 $0x13A00, v6  }
0x4c: {  	vm1 =	vmmov vm2;
	v5 =	vand.u32 $0xFFFFFE00, v4  }
0x4d: {  	s18 =	sadd.s32 $0x10, s18;
	s15 =	sadd.s32 $0x10, s15;
	v4 =	vshrl.u32 v1, $0xF;
	v5 =	vadd.s32 v5, v6;
	v6 =	vand.u32 $0x180, v7;
	(ifvalue) =	ssetifvalue $0x7FFFFFFF  }
.Ltmp4:
0x4e: {  	_ = 	snop;
	(pc) =	sbr.rel .LBB2_4-.Ltmp4, $1  }
0x4f: {  	_ =	sdelay $0x3  }
.LBB2_6:
0x50: {  	_ =	sfence.sel $0x180000  }
0x51: {  	s2 =	simm.s32 $0x2;
	[bflag:$0x0] =	sbarrier.arrive $0xFFFF  }
0x52: {  	s30 =	simm.s32 $0x3;
	[sflag:s2] =	ssyncpa.u1 $0x1  }
0x53: {  	s31 =	simm.s32 $0x1;
	[sflag:s30] =	ssyncpa.u1 $0x1  }
0x54: {  	[sflag:s31] =	ssyncpa.u1 $0x1  }
0x55: {  	p0 =	sne.s32 s1, $0x0;
	_ =	strace $0x90000050  }
0x56: {  	s0 =	sadd.s32 @!p0 $0x100000, s0;
	[bflag:$0x2] =	sbarrier.arrive $0xFFFF  }
0x57: {  	[sflag:s0] =	ssyncadd.tile.s32 @!p0 $0x1;
	_ =	shalt  }
.Lfunc_end2:
_tile_overlayer_lowered:
.L_overlay_start_2:
0x58: {  	(tag) =	ssettag $0x2  }
0x59: {  	s0 =	rddreg [dreg:$0x0];
	s2 =	stileid.u32  }
0x5a: {  	s1 =	rddreg [dreg:$0x1];
	p0 =	sne.s32 s2, $0x0  }
0x5b: {  	s3 =	rddreg [dreg:$0x2];
	[bflag:$0x3] =	sbarrier.arrive $0xFFFF;
	s2 =	simm.s32 @!p0 $0x1C01  }
0x5c: {  	[timem:s3], [sflag:s2] =	dma.local @!p0 [hbm:s0], s1  }
0x5d: {  	s0 =	simm.s32 @!p0 $0x1  }
0x5e: {  	_ =	swait.ge @!p0 [sflag:s0], s1  }
0x5f: {  	s1 =	ssub.s32 @!p0 $0x0, s1;
	[sflag:s0] =	ssyncset.done @!p0 $0x0  }
0x60: {  	[sflag:s0] =	ssyncadd.s32 @!p0 s1  }
0x61: {  	[bflag:$0x3] =	sbarrier.arrive $0xFFFF  }
0x62: {  	_ =	shalt  }

// kernel: gather_offload_async_start
scs
__scs_entry_jumppad:
0x0: {  	(pc) =	sbr.rel $0x88, $3  }
0x1: {  	(tag) =	ssettag $0x0;
	lr =	simm.s32 $0x1  }
0x2: {  	[smem:$0x3F9A] =	sst lr;
	_ =	strace $0xD0000000  }
0x3: {  	_ = 	snop  }
0x4: {  	_ = 	snop  }
0x5: {  	_ = 	snop  }
0x6: {  	_ = 	snop  }
0x7: {  	_ = 	snop  }
__scs_overlays_trampoline_lowered:
0x8: {  	[smem:$0x3FA9] =	sst s0  }
0x9: {  	[smem:$0x3FAA] =	sst s1  }
0xa: {  	[smem:$0x3FAB] =	sst s2  }
0xb: {  	[smem:$0x3FAC] =	sst s3  }
0xc: {  	[smem:$0x3FAD] =	sst s4  }
0xd: {  	[smem:$0x3FAE] =	sst s5  }
0xe: {  	[smem:$0x3FAF] =	sst s6  }
0xf: {  	[smem:$0x3FB0] =	sst s7  }
0x10: {  	[smem:$0x3FB1] =	sst s8  }
0x11: {  	[smem:$0x3FB2] =	sst s9;
	s0 =	simm.s32 @!p0 $0x0  }
0x12: {  	s1 =	sld [smem:$0x3F98];
	s0 =	simm.s32 @p0 $0x1  }
0x13: {  	[smem:$0x3FB3] =	sst s0;
	s0 =	simm.s32 @!p1 $0x0  }
0x14: {  	s2 =	sld [smem:$0x3F97];
	s0 =	simm.s32 @p1 $0x1  }
0x15: {  	[smem:$0x3FB4] =	sst s0;
	s0 =	simm.s32 @!p2 $0x0  }
0x16: {  	s3 =	sld [smem:$0x3FDB];
	s0 =	simm.s32 @p2 $0x1  }
0x17: {  	s4 =	simm.s32 $0x1BF5;
	[smem:$0x3FB6] =	sst s0  }
0x18: {  	s0 =	sld [smem:$0x3F99];
	_ =	swait.ge [sflag:s4], $0x0  }
0x19: {  	s7 =	sld [smem:$0x3F9A]  }
0x1a: {  	s8 =	sadd.s32 $0xFFFFE003, lr  }
0x1b: {  	s9 =	sadd.s32 $0xFFFFFEF7, lr;
	s5 =	simm.s32 $0xFFFFFFFF;
	p2 =	slt.u32 s8, $0xFFFFF086  }
0x1c: {  	p1 =	slt.u32 s9, $0xF7A;
	s5 =	simm.s32 @!p2 $0x0  }
0x1d: {  	s5 =	simm.s32 @p1 $0x1;
	p0 =	seq.s32 s7, s2  }
0x1e: {  	s7 =	smul.u32 @!p0 $0xF7A, s2;
	p2 =	seq.s32 @!p0 s5, $0x0  }
0x1f: {  	s9 =	smul.u32 $0xF7A, s1;
	s8 =	simm.s32 @!p0 $0x1BF5;
	p2 =	por !p2, p0  }
0x20: {  	[sflag:s8] =	ssyncset.s32 @!p0 $0xFFFFF086;
	s6 =	sadd.s32 @!p0 s3, s7;
	s7 =	simm.s32 @!p0 $0x108  }
0x21: {  	s3 =	sadd.s32 s3, s9;
	s6 =	sadd.s32 @!p0 $0x88, s6;
	s7 =	simm.s32 @p2 $0x1082  }
0x22: {  	[simem:s7], [sflag:s8] =	dma.local @!p0 [hbm:s6], $0xF7A  }
0x23: {  	s9 =	sor.u32 $0xD0000000, s2;
	s6 =	simm.s32 $0x108;
	_ =	swait.ge @!p0 [sflag:s8], $0x0  }
0x24: {  	s3 =	sadd.s32 $0x88, s3;
	s6 =	simm.s32 @!p1 $0x1082;
	[sflag:s4] =	ssyncset.s32 $0xFFFFF086  }
0x25: {  	[simem:s6], [sflag:s4] =	dma.local [hbm:s3], $0xF7A  }
0x26: {  	[smem:$0x3F9A] =	sst s1;
	(tag) =	ssettag s2;
	_ =	strace s9  }
0x27: {  	s1 =	sld [smem:$0x3FAA]  }
0x28: {  	s2 =	sld [smem:$0x3FAB]  }
0x29: {  	s4 =	sld [smem:$0x3FAD]  }
0x2a: {  	p0 =	seq.s32 s5, $0x0;
	s5 =	sld [smem:$0x3FAE]  }
0x2b: {  	s6 =	sld [smem:$0x3FAF]  }
0x2c: {  	s7 =	sld [smem:$0x3FB0]  }
0x2d: {  	s3 =	simm.s32 $0x108;
	s8 =	sld [smem:$0x3FB1]  }
0x2e: {  	s3 =	simm.s32 @!p0 $0x1082;
	s9 =	sld [smem:$0x3FB2]  }
0x2f: {  	lr =	sadd.s32 s0, s3;
	s0 =	sld [smem:$0x3FA9]  }
0x30: {  	s3 =	sld [smem:$0x3FAC]  }
0x31: {  	[smem:$0x3FB5] =	sst s10  }
0x32: {  	s10 =	sld [smem:$0x3FB3];
	_ =	sdelay $0x3  }
0x33: {  	p0 =	seq.s32 s10, $0x1;
	s10 =	sld [smem:$0x3FB5];
	_ =	sdelay $0x3  }
0x34: {  	[smem:$0x3FB5] =	sst s10  }
0x35: {  	s10 =	sld [smem:$0x3FB4];
	_ =	sdelay $0x3  }
0x36: {  	p1 =	seq.s32 s10, $0x1;
	s10 =	sld [smem:$0x3FB5];
	_ =	sdelay $0x3  }
0x37: {  	[smem:$0x3FB5] =	sst s10  }
0x38: {  	s10 =	sld [smem:$0x3FB6]  }
0x39: {  	_ = 	snop;
	(pc) =	sbr.ind lr, $3  }
0x3a: {  	_ = 	snop  }
0x3b: {  	_ = 	snop  }
0x3c: {  	p2 =	seq.s32 s10, $0x1;
	s10 =	sld [smem:$0x3FB5]  }
0x3d: {  	_ =	shalt  }
0x3e: {  	_ =	shalt  }
0x3f: {  	_ =	shalt  }
0x40: {  	_ =	shalt  }
0x41: {  	_ =	shalt  }
0x42: {  	_ =	shalt  }
0x43: {  	_ =	shalt  }
0x44: {  	_ =	shalt  }
0x45: {  	_ =	shalt  }
0x46: {  	_ =	shalt  }
0x47: {  	_ =	shalt  }
0x48: {  	_ =	shalt  }
0x49: {  	_ =	shalt  }
0x4a: {  	_ =	shalt  }
0x4b: {  	_ =	shalt  }
0x4c: {  	_ =	shalt  }
0x4d: {  	_ =	shalt  }
0x4e: {  	_ =	shalt  }
0x4f: {  	_ =	shalt  }
0x50: {  	_ =	shalt  }
0x51: {  	_ =	shalt  }
0x52: {  	_ =	shalt  }
0x53: {  	_ =	shalt  }
0x54: {  	_ =	shalt  }
0x55: {  	_ =	shalt  }
0x56: {  	_ =	shalt  }
0x57: {  	_ =	shalt  }
0x58: {  	_ =	shalt  }
0x59: {  	_ =	shalt  }
0x5a: {  	_ =	shalt  }
0x5b: {  	_ =	shalt  }
0x5c: {  	_ =	shalt  }
0x5d: {  	_ =	shalt  }
0x5e: {  	_ =	shalt  }
0x5f: {  	_ =	shalt  }
0x60: {  	_ =	shalt  }
0x61: {  	_ =	shalt  }
0x62: {  	_ =	shalt  }
0x63: {  	_ =	shalt  }
0x64: {  	_ =	shalt  }
0x65: {  	_ =	shalt  }
0x66: {  	_ =	shalt  }
0x67: {  	_ =	shalt  }
0x68: {  	_ =	shalt  }
0x69: {  	_ =	shalt  }
0x6a: {  	_ =	shalt  }
0x6b: {  	_ =	shalt  }
0x6c: {  	_ =	shalt  }
0x6d: {  	_ =	shalt  }
0x6e: {  	_ =	shalt  }
0x6f: {  	_ =	shalt  }
0x70: {  	_ =	shalt  }
0x71: {  	_ =	shalt  }
0x72: {  	_ =	shalt  }
0x73: {  	_ =	shalt  }
0x74: {  	_ =	shalt  }
0x75: {  	_ =	shalt  }
0x76: {  	_ =	shalt  }
0x77: {  	_ =	shalt  }
0x78: {  	_ =	shalt  }
0x79: {  	_ =	shalt  }
0x7a: {  	_ =	shalt  }
0x7b: {  	_ =	shalt  }
0x7c: {  	_ =	shalt  }
0x7d: {  	_ =	shalt  }
0x7e: {  	_ =	shalt  }
0x7f: {  	_ =	shalt  }
0x80: {  	_ =	shalt  }
0x81: {  	_ =	shalt  }
0x82: {  	_ =	shalt  }
0x83: {  	_ =	shalt  }
0x84: {  	_ =	shalt  }
0x85: {  	_ =	shalt  }
0x86: {  	_ =	shalt  }
0x87: {  	_ =	shalt  }
.Lfunc_end0:
.L_simem_size_0:
called_computation_lowered:
.L_overlay_start_0:
0x88: {  	s2 =	sld [smem:$0x3FD9]  }
0x89: {  	s3 =	sld [smem:$0x3FFE];
	_ =	sdelay $0x1  }
0x8a: {  	s1 =	srdreg.scid  }
0x8b: {  	s0 =	sand.u32 $0x1, s1  }
0x8c: {  	s17 =	sshll.u32 s0, $0xA;
	s2 =	sadd.s32 s3, s2  }
0x8d: {  	s2 =	sadd.s32 s2, s17  }
0x8e: {  	[smem:$0x3FC1] =	sst s2  }
0x8f: {  	_ = 	snop  }
0x90: {  	s2 =	sld [smem:$0x3FC9];
	(tm) =	ssettm $0x1  }
0x91: {  	s18 =	sld [smem:$0x3FFB];
	_ =	sdelay $0x3  }
0x92: {  	_ =	strace s18  }
0x93: {  	s3 =	sld [smem:$0x3FFC];
	_ =	sdelay $0x3  }
0x94: {  	_ =	strace s3  }
0x95: {  	s3 =	sld [smem:$0x3FFD];
	_ =	sdelay $0x3  }
0x96: {  	_ =	strace s3  }
0x97: {  	_ =	strace $0x8FFFFFFF  }
0x98: {  	s19 =	sld [smem:$0x3FDB];
	_ =	sdelay $0x1  }
0x99: {  	s4 =	simm.s32 $_scs_section_size  }
0x9a: {  	s5 =	simm.s32 $_size__tile_overlayer_lowered;
	s6 =	simm.s32 $_tile_overlayer_lowered  }
0x9b: {  	s22 =	simm.s32 $0x1BFF;
	s21 =	sshll.u32 s6, $0x1;
	s3 =	sadd.s32 s4, s19  }
0x9c: {  	s7 =	simm.s32 $0x0;
	s20 =	sshll.u32 s5, $0x1;
	s5 =	sadd.s32 s21, s3  }
0x9d: {  	[timem:s7], [sflag:s22] =	dma.local [hbm:s5], s20  }
0x9e: {  	_ =	swait.ge [sflag:s22], s20  }
0x9f: {  	s4 =	ssub.s32 $0x0, s20;
	[sflag:s22] =	ssyncset.done $0x0  }
0xa0: {  	[sflag:s22] =	ssyncadd.s32 s4;
	_ =	sdelay $0x1  }
0xa1: {  	s23 =	simm.s32 $0x1B8B  }
0xa2: {  	_ =	swait.ge [sflag:s23], $0x1  }
0xa3: {  	[sflag:s23] =	ssyncset.done $0x0  }
0xa4: {  	s25 =	simm.s32 $0x1B8E;
	s24 =	sld [smem:$0x3FFE];
	[sflag:s23] =	ssyncadd.s32 $0xFFFFFFFF  }
0xa5: {  	s26 =	simm.s32 $execute0_lowered;
	[smem:$0x3FD2] =	sst s25  }
0xa6: {  	s5 =	sshll.u32 s26, $0x1;
	_ =	strace $0x80000055;
	[dreg:$0x1] =	wrdreg $0xFFFFFFFF  }
0xa7: {  	s28 =	simm.s32 $_size_execute0_lowered;
	s3 =	sadd.s32 s3, s5;
	[dreg:$0x0] =	wrdreg $0x0  }
0xa8: {  	s5 =	sshll.u32 s28, $0x1;
	[dreg:$0x2] =	wrdreg s3  }
0xa9: {  	[dreg:$0x3] =	wrdreg s5  }
0xaa: {  	[dreg:$0x4] =	wrdreg $0xC0  }
0xab: {  	_ =	task [dreg:s7], $0x5FFFF  }
0xac: {  	[dreg:$0x1] =	wrdreg $0xFFFFFFFF  }
0xad: {  	[dreg:$0x0] =	wrdreg $0x60  }
0xae: {  	[dreg:$0x2] =	wrdreg s2  }
0xaf: {  	[dreg:$0x3] =	wrdreg s24  }
0xb0: {  	[dreg:$0x4] =	wrdreg $0x9  }
0xb1: {  	_ =	task.clear_ibuf [dreg:s7], $0x5FFFF;
	_ =	strace $0x90000055  }
0xb2: {  	s29 =	simm.s32 $0x9;
	_ =	strace $0x80000057  }
0xb3: {  	_ =	swait.ge [sflag:s29], $0x1  }
0xb4: {  	[sflag:s29] =	ssyncadd.s32 $0xFFFFFFFF  }
0xb5: {  	_ =	strace $0x90000057  }
0xb6: {  	_ =	sfence  }
0xb7: {  	s30 =	sld [smem:$0x0];
	_ =	sdelay $0x2  }
0xb8: {  	s31 =	sshll.u32 s1, $0xD;
	s1 =	sshrl.u32 s1, $0x2  }
0xb9: {  	s3 =	sand.u32 $0x4000, s31;
	s1 =	sadd.s32 s1, s30  }
0xba: {  	s0 =	sor.u32 s3, s0;
	s1 =	sshll.u32 s1, $0x11  }
0xbb: {  	s0 =	sor.u32 s1, s0  }
0xbc: {  	s0 =	sadd.s32 $0x8F2B, s0  }
0xbd: {  	[sflag:s0] =	ssyncadd.remote.s32 $0x1  }
0xbe: {  	_ =	sfence.sel $0xFFFF  }
0xbf: {  	[dreg:$0x0] =	wrdreg $0xFFFFFFFF;
	(pc) =	sbr.abs _section_cstart, $3  }
0xc0: {  	[dreg:$0x1] =	wrdreg $0xFFFFFFFF  }
0xc1: {  	_ =	task.clear_ibuf [dreg:s7], $0x2FFFF;
	_ =	strace $0x9FFFFFFF  }
0xc2: {  	(tm) =	ssettm $0x7FFFFFFF  }
0xc3: {  	_ =	shalt  }
tec
execute0_lowered:
.L_overlay_start_1:
0x0: {  	(tag) =	ssettag $0x1  }
0x1: {  	s2 =	rddreg [dreg:$0x0];
	s0 =	stileid.u32  }
0x2: {  	s1 =	srdreg.scid;
	s8 =	rddreg [dreg:$0x1]  }
0x3: {  	s5 =	simm.s32 $0x1;
	s9 =	simm.s32 $0x1;
	s10 =	simm.s32 $0x3  }
0x4: {  	s13 =	simm.s32 $0x0;
	s3 =	sand.u32 $0x1, s1;
	s4 =	sshll.u32 s0, $0x1  }
0x5: {  	s12 =	simm.s32 $0x0;
	s1 =	rddreg [dreg:$0x2];
	s6 =	sor.u32 s4, s3  }
0x6: {  	_ =	strace $0x80000056;
	s3 =	sadd.s32 $0xC00, s8;
	s4 =	smul.u32 $0xA0, s6  }
0x7: {  	[sflag:s5] =	ssyncpa.u1 $0x0;
	p0 =	slt.u32 s6, $0x13;
	s6 =	simm.s32 $0x1400  }
.Ltmp0:
0x8: {  	s6 =	simm.s32 @!p0 $0x0;
	s7 =	ssub.s32 $0x1F40, s4;
	(pc) =	sbr.rel .LBB2_1-.Ltmp0, $4  }
0x9: {  	s9 =	simm.s32 @!p0 $0x0;
	p0 =	sne.s32 s7, s6;
	s7 =	simm.s32 $0x1  }
0xa: {  	s8 =	sadd.s32 $0x1000, s8;
	s6 =	simm.s32 $0x2;
	s7 =	simm.s32 @!p0 $0x0  }
0xb: {  	s11 =	smov.u32 s4;
	[sflag:s6] =	ssyncpa.u1 $0x0;
	s7 =	sadd.s32 s9, s7  }
0xc: {  	vm0 =	vmmov $0xffff;
	[sflag:s10] =	ssyncpa.u1 $0x0;
	s10 =	simm.s32 $0x0;
	s9 =	sadd.s32 $0x1, s7  }
.LBB2_4:
0xd: {  	vm2 =	veq.s32 v2, $0x80000000;
	v4 =	vand.u32 $0x1, v4;
	v5 =	vor.u32 v6, v5  }
0xe: {  	v1 =	vand.u32 $0x7FFF, v1;
	v7 =	vshrl.u32 v2, $0xF;
	v56 =	vand.u32 $0x7FFF, v2  }
0xf: {  	v4 =	vsel vm1, $0xFFFFFFFF, v4;
	v3 =	vor.u32 v3, v5;
	v1 =	vsel vm1, $0xFFFFFFFF, v1  }
0x10: {  	vm1 =	vmmov vm2;
	v7 =	vand.u32 $0x1, v7;
	v54 =	vshrl.u32 v4, $0x1  }
0x11: {  	v4 =	vshll.u32 v4, $0x7;
	v55 =	vshll.u32 v1, $0x1;
	v57 =	vsel vm1, $0xFFFFFFFF, v7  }
0x12: {  	v2 =	vsel vm1, $0xFFFFFFFF, v56;
	v1 =	vand.u32 $0x7F, v1;
	v5 =	vmul.u32 $0x9D00, v54  }
0x13: {  	v6 =	vand.u32 $0xFFFFFF00, v55;
	v4 =	vand.u32 $0x80, v4;
	v7 =	vshrl.u32 v57, $0x1  }
0x14: {  	v59 =	vshll.u32 v2, $0x1;
	v58 =	vmul.u32 $0x9D00, v7;
	v5 =	vadd.s32 v6, v5  }
0x15: {  	v7 =	vand.u32 $0xFFFFFF00, v59;
	v6 =	vshll.u32 v57, $0x7;
	v4 =	vor.u32 v4, v5  }
0x16: {  	v60 =	vadd.s32 v7, v58;
	v61 =	vand.u32 $0x80, v6;
	v1 =	vor.u32 v1, v4  }
0x17: {  	[tilespmem:s16], [sflag:$0x1] =	stream.indirect_vreg.gather [hbm4b:s2+s10], $0x1, v0, vm0, $0x4038;
	v62 =	vand.u32 $0x7F, v2;
	v63 =	vor.u32 v61, v60;
	[tilespmem:$0x280] =	vst v63  }
0x18: {  	(ifvalue) =	ssetifvalue $0x7FFFFFFF;
	v0 =	vor.u32 v62, v63  }
0x19: {  	[tilespmem:s15], [sflag:$0x1] =	stream.indirect_vreg.gather [hbm4b:s2+s10], $0x1, v3, vm0, $0x4038;
	[tilespmem:$0x280] =	vst v63  }
0x1a: {  	s29 =	sadd.s32 $0x10, s15;
	(ifvalue) =	ssetifvalue $0x7FFFFFFF  }
0x1b: {  	[tilespmem:s29], [sflag:$0x1] =	stream.indirect_vreg.gather [hbm4b:s2+s10], $0x1, v1, vm0, $0x4038;
	[tilespmem:$0x280] =	vst v63  }
0x1c: {  	s15 =	sadd.s32 $0x10, s29;
	(ifvalue) =	ssetifvalue $0x7FFFFFFF  }
0x1d: {  	[tilespmem:s15], [sflag:$0x1] =	stream.indirect_vreg.gather [hbm4b:s2+s10], $0x1, v0, vm0, $0x4038;
	[tilespmem:$0x280] =	vst v63  }
0x1e: {  	_ =	swait.ge [sflag:s5], $0xA0  }
0x1f: {  	s30 =	sshrl.u32 s13, $0x3;
	[sflag:s5] =	ssyncset.done $0x0  }
0x20: {  	s31 =	sand.u32 $0x7, s13;
	s15 =	sadd.s32 s8, s30;
	[sflag:s5] =	ssyncadd.s32 $0xFFFFFF60  }
0x21: {  	[hbm4b:s15+s31] =	stream.linear.scatter [tilespmem:s14], [sflag:$0x3], $0xA0, $0x38;
	[tilespmem:$0x280] =	vst v63  }
.LBB2_5:
0x22: {  	s15 =	sadd.s32 $0x1400, s11  }
0x23: {  	p1 =	sgt.s32 s15, $0x1F3F  }
0x24: {  	s15 =	smov.u32 @p1 s4;
	p1 =	sne.s32 s12, s9  }
.Ltmp1:
0x25: {  	p0 =	slt.u32 s12, $0x2;
	(pc) =	sbr.rel @!p1 .LBB2_6-.Ltmp1, $4  }
0x26: {  	s14 =	simm.s32 @!p0 $0x3  }
0x27: {  	_ =	swait.ge @!p0 [sflag:s14], $0xA0  }
0x28: {  	s16 =	sadd.s32 $0x1, s12;
	s13 =	smov.u32 s11;
	[sflag:s14] =	ssyncset.done @!p0 $0x0  }
0x29: {  	s12 =	smov.u32 s16;
	s11 =	smov.u32 s15;
	[sflag:s14] =	ssyncadd.s32 @!p0 $0xFFFFFF60  }
.LBB2_1:
0x2a: {  	p0 =	sge.u32 s12, s7  }
0x2b: {  	s14 =	sxor.u32 @!p0 $0x1, s12  }
0x2c: {  	s14 =	smul.u32 @!p0 $0x280, s14  }
0x2d: {  	s31 =	sadd.s32 $0xFFFFFFFF, s12;
	s15 =	sshrl.u32 @!p0 s11, $0x3  }
0x2e: {  	s16 =	sand.u32 @!p0 $0x7, s11;
	s15 =	sadd.s32 @!p0 s3, s15;
	s14 =	sshra.s32 @!p0 s14, $0x2  }
0x2f: {  	[tilespmem:s14], [sflag:$0x2] =	stream.linear.gather @!p0 [hbm4b:s15+s16], $0xA0, $0x38;
	[tilespmem:$0x280] =	vst v63  }
0x30: {  	p0 =	sge.u32 s31, s7  }
.Ltmp2:
0x31: {  	_ = 	snop;
	(pc) =	sbr.rel @p0 .LBB2_5-.Ltmp2, $1  }
0x32: {  	_ =	sdelay $0x3  }
0x33: {  	s14 =	sand.u32 $0x1, s12  }
0x34: {  	_ =	swait.ge [sflag:s6], $0xA0;
	p0 =	seq.s32 s14, $0x1;
	s14 =	simm.s32 $0xA0  }
0x35: {  	[sflag:s6] =	ssyncset.done $0x0;
	s14 =	simm.s32 @!p0 $0x0  }
0x36: {  	[sflag:s6] =	ssyncadd.s32 $0xFFFFFF60;
	(ifvalue) =	ssetifvalue $0x7FFFFFFF;
	v0 =	vld.msk [tilespmem:s14+$0x0 ss:$0x1], $0xffff;
	_ =	sdelay $0x2  }
0x37: {  	s15 =	sadd.s32 $0x10, s14  }
0x38: {  	v2 =	vld.msk [tilespmem:s15+$0x0 ss:$0x1], $0xffff  }
0x39: {  	vm1 =	veq.s32 v0, $0x80000000;
	v1 =	vshrl.u32 v0, $0xF  }
0x3a: {  	vm1 =	vmmov vm1;
	v3 =	vand.u32 $0x1, v1  }
0x3b: {  	v0 =	vand.u32 $0x7FFF, v0;
	v3 =	vsel vm1, $0xFFFFFFFF, v3  }
0x3c: {  	s15 =	sadd.s32 $0x10, s15;
	v0 =	vsel vm1, $0xFFFFFFFF, v0;
	v4 =	vshrl.u32 v3, $0x1  }
0x3d: {  	v1 =	vld.msk [tilespmem:s15+$0x0 ss:$0x1], $0xffff;
	v6 =	vshrl.u32 v2, $0xF;
	v5 =	vshll.u32 v0, $0x1;
	v4 =	vmul.u32 $0x9D00, v4  }
0x3e: {  	vm1 =	veq.s32 v2, $0x80000000;
	v3 =	vshll.u32 v3, $0x7;
	v5 =	vand.u32 $0xFFFFFF00, v5  }
0x3f: {  	v0 =	vand.u32 $0x7F, v0;
	v3 =	vand.u32 $0x80, v3;
	v4 =	vadd.s32 v5, v4  }
0x40: {  	vm1 =	vmmov vm1;
	v5 =	vand.u32 $0x1, v6;
	v3 =	vor.u32 v3, v4  }
0x41: {  	v2 =	vand.u32 $0x7FFF, v2;
	v4 =	vsel vm1, $0xFFFFFFFF, v5;
	v0 =	vor.u32 v0, v3  }
0x42: {  	s15 =	sadd.s32 $0x10, s15;
	vm2 =	veq.s32 v1, $0x80000000;
	v3 =	vsel vm1, $0xFFFFFFFF, v2;
	v2 =	vshrl.u32 v4, $0x1  }
0x43: {  	s14 =	sor.u32 $0x140, s14;
	v6 =	vshll.u32 v4, $0x7;
	v5 =	vmul.u32 $0x9D00, v2;
	v4 =	vshll.u32 v3, $0x1;
	v2 =	vld.msk [tilespmem:s15+$0x0 ss:$0x1], $0xffff  }
0x44: {  	s17 =	simm.s32 $0x30;
	s16 =	smov.u32 s14;
	vm1 =	vmmov vm2;
	v3 =	vand.u32 $0x7F, v3;
	v7 =	vand.u32 $0xFFFFFF00, v4  }
0x45: {  	s18 =	sadd.s32 $0x10, s15;
	v6 =	vand.u32 $0x80, v6;
	(ifvalue) =	ssetifvalue $0x7FFFFFFF;
	s15 =	sadd.s32 $0x10, s14;
	v4 =	vshrl.u32 v1, $0xF;
	v5 =	vadd.s32 v7, v5  }
.LBB2_3:
0x46: {  	[tilespmem:s16], [sflag:$0x1] =	stream.indirect_vreg.gather [hbm4b:s2+s10], $0x1, v0, vm0, $0x4038;
	[tilespmem:$0x280] =	vst v63  }
0x47: {  	s17 =	sadd.s32 $0x10, s17  }
0x48: {  	vm2 =	veq.s32 v2, $0x80000000;
	v4 =	vand.u32 $0x1, v4;
	v5 =	vor.u32 v6, v5;
	v6 =	vmovc v2;
	v2 =	vld.msk [tilespmem:s18+$0x0 ss:$0x1], $0xffff;
	p0 =	slt.u32 s17, $0x90  }
.Ltmp3:
0x49: {  	v7 =	vand.u32 $0x7FFF, v1;
	s16 =	smov.u32 s15;
	v4 =	vsel vm1, $0xFFFFFFFF, v4;
	v0 =	vor.u32 v3, v5;
	v1 =	vmovc v6;
	(pc) =	sbr.rel @p0 .LBB2_3-.Ltmp3, $4  }
0x4a: {  	v5 =	vsel vm1, $0xFFFFFFFF, v7;
	v6 =	vshrl.u32 v4, $0x1;
	v7 =	vshll.u32 v4, $0x7  }
0x4b: {  	v3 =	vand.u32 $0x7F, v5;
	v4 =	vshll.u32 v5, $0x1;
	v6 =	vmul.u32 $0x9D00, v6  }
0x4c: {  	vm1 =	vmmov vm2;
	v5 =	vand.u32 $0xFFFFFF00, v4  }
0x4d: {  	s18 =	sadd.s32 $0x10, s18;
	s15 =	sadd.s32 $0x10, s15;
	v4 =	vshrl.u32 v1, $0xF;
	v5 =	vadd.s32 v5, v6;
	v6 =	vand.u32 $0x80, v7;
	(ifvalue) =	ssetifvalue $0x7FFFFFFF  }
.Ltmp4:
0x4e: {  	_ = 	snop;
	(pc) =	sbr.rel .LBB2_4-.Ltmp4, $1  }
0x4f: {  	_ =	sdelay $0x3  }
.LBB2_6:
0x50: {  	_ =	sfence.sel $0x180000  }
0x51: {  	s2 =	simm.s32 $0x2;
	[bflag:$0x0] =	sbarrier.arrive $0xFFFF  }
0x52: {  	s30 =	simm.s32 $0x3;
	[sflag:s2] =	ssyncpa.u1 $0x1  }
0x53: {  	s31 =	simm.s32 $0x1;
	[sflag:s30] =	ssyncpa.u1 $0x1  }
0x54: {  	[sflag:s31] =	ssyncpa.u1 $0x1  }
0x55: {  	p0 =	sne.s32 s0, $0x0;
	_ =	strace $0x90000056  }
0x56: {  	s0 =	sadd.s32 @!p0 $0x100000, s1;
	[bflag:$0x2] =	sbarrier.arrive $0xFFFF  }
0x57: {  	[sflag:s0] =	ssyncadd.tile.s32 @!p0 $0x1;
	_ =	shalt  }
.Lfunc_end2:
_tile_overlayer_lowered:
.L_overlay_start_2:
0x58: {  	(tag) =	ssettag $0x2  }
0x59: {  	s0 =	rddreg [dreg:$0x0];
	s2 =	stileid.u32  }
0x5a: {  	s1 =	rddreg [dreg:$0x1];
	p0 =	sne.s32 s2, $0x0  }
0x5b: {  	s3 =	rddreg [dreg:$0x2];
	[bflag:$0x3] =	sbarrier.arrive $0xFFFF;
	s2 =	simm.s32 @!p0 $0x1C01  }
0x5c: {  	[timem:s3], [sflag:s2] =	dma.local @!p0 [hbm:s0], s1  }
0x5d: {  	s0 =	simm.s32 @!p0 $0x1  }
0x5e: {  	_ =	swait.ge @!p0 [sflag:s0], s1  }
0x5f: {  	s1 =	ssub.s32 @!p0 $0x0, s1;
	[sflag:s0] =	ssyncset.done @!p0 $0x0  }
0x60: {  	[sflag:s0] =	ssyncadd.s32 @!p0 s1  }
0x61: {  	[bflag:$0x3] =	sbarrier.arrive $0xFFFF  }
0x62: {  	_ =	shalt  }

</sc_bundles>
